<compile_context>
chip_gen: v7x
topology: tpu7x:2x2x1
jax: 0.10.2.dev20260603
libtpu: 0.0.44.dev20260713+nightly
codegen_flags: <defaults>
</compile_context>

<pallas_src>
import functools

import jax
import jax.numpy as jnp
from jax import lax
from jax.experimental import pallas as pl
from jax.experimental.pallas import tpu as pltpu
from jax.experimental.pallas import tpu_sc as plsc

B = 4
C = 64
NX = 432
NY = 496
M = 80000
NPOS = B * NY * NX
NC = 2
NS = 16
NW = NC * NS
MP = M // NW
MPAD = 2512
NVEC = MPAD // 16
K = NPOS // NW
NCH = 20
CHW = 128
MROW = NCH * CHW
CPC = 256
YR = NY - CPC
XB = 16
NK = NX // XB
C2BLK = XB * CPC
C2ROWS = C2BLK * (B * NK + 1)
CANVAS_ROWS = 2 * C2ROWS
TRASH = 2 * C2BLK * B * NK

_mesh = plsc.VectorSubcoreMesh(
    core_axis_name="c", subcore_axis_name="s", num_cores=NC, num_subcores=NS)

_sc_params = pltpu.CompilerParams(
    use_tc_tiling_on_sc=False, needs_layout_passes=False)


def _wid():
    return lax.axis_index("s") * NC + lax.axis_index("c")


def _iota():
    return lax.iota(jnp.int32, 16)


@functools.partial(
    pl.kernel,
    out_type=jax.ShapeDtypeStruct((NW * MPAD,), jnp.int32),
    mesh=_mesh,
    compiler_params=_sc_params,
    scratch_types=[
        pltpu.VMEM((MP, 4), jnp.int32),
        pltpu.VMEM((MPAD,), jnp.int32),
    ],
)
def _sc_flatten(coords_hbm, flat_hbm, coords_v, flat_v):
    w = _wid()
    pltpu.sync_copy(coords_hbm.at[w], coords_v)
    zeros = jnp.zeros((16,), jnp.int32)
    col_y = jnp.full((16,), 2, jnp.int32)
    col_x = jnp.full((16,), 3, jnp.int32)

    def body(i, _):
        p = i * 16 + _iota()
        valid = p < MP
        pc = jnp.minimum(p, MP - 1)
        b = plsc.load_gather(coords_v, [pc, zeros])
        y = plsc.load_gather(coords_v, [pc, col_y])
        x = plsc.load_gather(coords_v, [pc, col_x])
        g = b * (NY * NX) + x * NY + y
        flat_v[pl.ds(i * 16, 16)] = jnp.where(valid, g, -1)
        return 0

    lax.fori_loop(0, NVEC, body, 0)
    pltpu.sync_copy(flat_v, flat_hbm.at[pl.ds(w * MPAD, MPAD)])


@functools.partial(
    pl.kernel,
    out_type=jax.ShapeDtypeStruct((NPOS,), jnp.int32),
    mesh=_mesh,
    compiler_params=_sc_params,
    scratch_types=[
        pltpu.VMEM((NW * MPAD,), jnp.int32),
        pltpu.VMEM((K,), jnp.int32),
    ],
)
def _sc_winner(flat_hbm, winner_hbm, flat_v, seg_v):
    w = _wid()
    base = w * K
    pltpu.sync_copy(flat_hbm, flat_v)
    neg1 = jnp.full((16,), -1, jnp.int32)

    def init(i, _):
        seg_v[pl.ds(i * 16, 16)] = neg1
        return 0

    lax.fori_loop(0, K // 16, init, 0)

    def scan(j, _):
        f = flat_v[pl.ds(j * 16, 16)]
        local = f - base
        inr = local.astype(jnp.uint32) < jnp.uint32(K)

        @pl.when(jnp.any(inr))
        def _():
            cl = jnp.where(inr, local, 0)
            m = j * 16 + _iota()
            cur = plsc.load_gather(seg_v, [cl], mask=inr)
            new = jnp.maximum(cur, m)
            plsc.store_scatter(seg_v, [cl], new, mask=inr)

        return 0

    lax.fori_loop(0, (NW * MPAD) // 16, scan, 0)
    pltpu.sync_copy(seg_v, winner_hbm.at[pl.ds(base, K)])


@functools.partial(
    pl.kernel,
    out_type=jax.ShapeDtypeStruct((CANVAS_ROWS, C), jnp.float32),
    mesh=_mesh,
    compiler_params=_sc_params,
    scratch_types=[
        pltpu.VMEM((MROW,), jnp.int32),
        pltpu.VMEM((NCH, CHW), jnp.int32),
        pltpu.VMEM((NCH, CHW), jnp.int32),
        pltpu.VMEM((NCH, CHW), jnp.int32),
        pltpu.VMEM((CHW, C), jnp.float32),
        pltpu.SemaphoreType.DMA,
    ],
)
def _sc_scatter(pf_hbm, flat_hbm, winner_hbm, canvas_hbm,
                fidx_v, gidx_v, wv_v, tgt_v, rows_v, sem):
    w = _wid()
    fbase = w * MPAD
    pltpu.sync_copy(flat_hbm.at[pl.ds(fbase, MPAD)], fidx_v.at[pl.ds(0, MPAD)])

    def sanitize(i, _):
        p = i * 16 + _iota()
        valid = p < MP
        f = fidx_v[pl.ds(i * 16, 16)]
        fs = jnp.where(valid, f, 0)
        plsc.store_scatter(gidx_v, [p // CHW, p % CHW], fs)
        return 0

    lax.fori_loop(0, MROW // 16, sanitize, 0)

    def gather(c, _):
        pltpu.async_copy(winner_hbm.at[gidx_v.at[c]], wv_v.at[c], sem).wait()
        return 0

    lax.fori_loop(0, NCH, gather, 0)

    def compare(i, _):
        p = i * 16 + _iota()
        valid = p < MP
        f = fidx_v[pl.ds(i * 16, 16)]
        wv = plsc.load_gather(wv_v, [p // CHW, p % CHW])
        win = (wv == (fbase + p)) & valid
        b2 = f // (NY * NX)
        rem = f - b2 * (NY * NX)
        x = rem // NY
        y = rem - x * NY
        h = y // CPC
        yl = y - h * CPC
        s = (b2 * NX + x) * (2 * CPC) + yl * 2 + h
        tgt = jnp.where(win, s, TRASH)
        plsc.store_scatter(tgt_v, [p // CHW, p % CHW], tgt)
        return 0

    lax.fori_loop(0, MROW // 16, compare, 0)

    def scatter(c, _):
        pltpu.sync_copy(pf_hbm.at[w, pl.ds(c * CHW, CHW), :], rows_v)
        pltpu.async_copy(rows_v, canvas_hbm.at[tgt_v.at[c]], sem).wait()
        return 0

    lax.fori_loop(0, NCH, scatter, 0)


def _tc_body(c2_ref, win_ref, out_ref):
    wv = win_ref[0, 0, :]
    for xi in range(XB):
        wc = wv[xi * NY:(xi + 1) * NY]
        x2 = c2_ref[xi * CPC:(xi + 1) * CPC, :]
        xt = x2.T
        out_ref[0, :, xi, 0:CPC] = jnp.where(
            (wc[0:CPC] >= 0)[None, :], xt[0:C, :], jnp.float32(0))
        out_ref[0, :, xi, CPC:NY] = jnp.where(
            (wc[CPC:NY] >= 0)[None, :], xt[C:2 * C, 0:YR], jnp.float32(0))


def _tc_finish(canvas2, winner3):
    return pl.pallas_call(
        _tc_body,
        grid=(B, NK),
        in_specs=[
            pl.BlockSpec((C2BLK, 2 * C), lambda b, k: (b * NK + k, 0)),
            pl.BlockSpec((1, 1, XB * NY), lambda b, k: (b * NK + k, 0, 0)),
        ],
        out_specs=pl.BlockSpec((1, C, XB, NY), lambda b, k: (b, 0, k, 0)),
        out_shape=jax.ShapeDtypeStruct((B, C, NX, NY), jnp.float32),
        compiler_params=pltpu.CompilerParams(
            dimension_semantics=("parallel", "parallel")),
    )(canvas2, winner3)


def kernel(pillar_features, voxel_coords):
    coords3 = voxel_coords.reshape(NW, MP, 4)
    pf_pad = jnp.zeros((NW, MROW, C), jnp.float32)
    pf_pad = lax.dynamic_update_slice(
        pf_pad, pillar_features.reshape(NW, MP, C), (0, 0, 0))
    flat = _sc_flatten(coords3)
    winner = _sc_winner(flat)
    canvas = _sc_scatter(pf_pad, flat, winner)
    canvas2 = canvas.reshape(C2ROWS, 2 * C)
    winner3 = winner.reshape(B * NK, 1, XB * NY)
    out = _tc_finish(canvas2, winner3)
    return out.transpose(0, 1, 3, 2)

# --- scband reference (transcript-rebuilt; emitter-appended) ---
"""Pipeline reference for scband-point-pillar-scatter-28819230556596 (READ-ONLY COPY).

The authoritative reference and input builder live on the scoring server;
editing this copy changes nothing except your own understanding.
"""

import jax, jax.numpy as jnp
import numpy as np

B = 4
C = 64
NX = 432
NY = 496
M = 80000

def setup_inputs(seed: int = 0) -> dict:
    key = jax.random.key(seed)
    k1, k2, k3, k4 = jax.random.split(key, 4)
    pillar_features = jax.random.normal(k1, (M, C), dtype=jnp.float32)
    b = jax.random.randint(k2, (M,), 0, B)
    z = jnp.zeros((M,), dtype=jnp.int32)
    y = jax.random.randint(k3, (M,), 0, NY)
    x = jax.random.randint(k4, (M,), 0, NX)
    voxel_coords = jnp.stack([b, z, y, x], axis=1).astype(jnp.int32)
    return {"pillar_features": pillar_features, "voxel_coords": voxel_coords}

def reference(pillar_features, voxel_coords):
    # PointPillarScatter forward (nz == 1, no occ branch):
    # per-batch scatter-overwrite of pillar features into a dense BEV canvas.
    # Equivalent vectorized form: offset each pillar's (y*nx + x) index by
    # batch_idx * (ny * nx), scatter into one flat canvas, then reshape.
    flat_idx = (voxel_coords[:, 0] * (NY * NX)
                + voxel_coords[:, 2] * NX
                + voxel_coords[:, 3]).astype(jnp.int32)
    canvas = jnp.zeros((B * NY * NX, C), dtype=pillar_features.dtype)
    canvas = canvas.at[flat_idx].set(pillar_features)
    spatial_features = canvas.reshape(B, NY, NX, C).transpose(0, 3, 1, 2)
    return spatial_features

if __name__ == "__main__":
    import jax
    _d = setup_inputs()
    print(jax.jit(kernel)(*tuple(_d.values())))

</pallas_src>

<mosaic_0001>
#map = affine_map<(d0, d1) -> (0, 0, 0)>
#map1 = affine_map<(d0, d1) -> (0)>
module attributes {stable_mosaic.version = 14 : i64} {
  func.func @_sc_flatten(%arg0: i32, %arg1: i32, %arg2: memref<32x2500x4xi32, #tpu.memory_space<hbm>>, %arg3: memref<80384xi32, #tpu.memory_space<hbm>>, %arg4: memref<2500x4xi32, #tpu.memory_space<vmem>>, %arg5: memref<2512xi32, #tpu.memory_space<vmem>>) attributes {dimension_semantics = [#tpu.dimension_semantics<core_parallel>, #tpu.dimension_semantics<subcore_parallel>], iteration_bounds = array<i64: 2, 16>, scalar_prefetch = 0 : i64, scratch_operands = 2 : i64, tpu.core_type = #tpu.core_type<sc_vector_subcore>, window_params = [{transform_indices = #map}, {transform_indices = #map1}]} {
    %mul3A = arith.constant 2 : i32
    %mul3A_0 = arith.muli %arg1, %mul3A : i32
    %add3A = arith.addi %mul3A_0, %arg0 : i32
    "tpu.region"() ({
      %run_scoped3A = tpu.sem_alloc : memref<!tpu.dma_semaphore, #tpu.memory_space<semaphore_mem>>
      %dma_start3A = arith.constant 0 : i32
      %dma_start3A_14 = arith.constant 0 : i32
      %dma_start3A_15 = tpu.memref_slice %arg2[%add3A, %dma_start3A, %dma_start3A_14] : memref<32x2500x4xi32, #tpu.memory_space<hbm>> -> memref<1x2500x4xi32, #tpu.memory_space<hbm>>
      %dma_start3A_16 = tpu.memref_squeeze %dma_start3A_15 : memref<1x2500x4xi32, #tpu.memory_space<hbm>> -> memref<2500x4xi32, #tpu.memory_space<hbm>>
      %dma_start3A_17 = arith.constant 0 : i32
      %dma_start3A_18 = arith.constant 0 : i32
      %dma_start3A_19 = tpu.memref_slice %arg2[%add3A, %dma_start3A_17, %dma_start3A_18] : memref<32x2500x4xi32, #tpu.memory_space<hbm>> -> memref<1x2500x4xi32, #tpu.memory_space<hbm>>
      %dma_start3A_20 = tpu.memref_squeeze %dma_start3A_19 : memref<1x2500x4xi32, #tpu.memory_space<hbm>> -> memref<2500x4xi32, #tpu.memory_space<hbm>>
      tpu.enqueue_dma source(%dma_start3A_20 : memref<2500x4xi32, #tpu.memory_space<hbm>>) target(%arg4 : memref<2500x4xi32, #tpu.memory_space<vmem>>) target_semaphore(%run_scoped3A : memref<!tpu.dma_semaphore, #tpu.memory_space<semaphore_mem>>)
      %dma_wait3A = arith.constant 0 : i32
      %dma_wait3A_21 = arith.constant 0 : i32
      %dma_wait3A_22 = tpu.memref_slice %arg2[%add3A, %dma_wait3A, %dma_wait3A_21] : memref<32x2500x4xi32, #tpu.memory_space<hbm>> -> memref<1x2500x4xi32, #tpu.memory_space<hbm>>
      %dma_wait3A_23 = tpu.memref_squeeze %dma_wait3A_22 : memref<1x2500x4xi32, #tpu.memory_space<hbm>> -> memref<2500x4xi32, #tpu.memory_space<hbm>>
      %dma_wait3A_24 = arith.constant 0 : i32
      %dma_wait3A_25 = arith.constant 0 : i32
      %dma_wait3A_26 = tpu.memref_slice %arg2[%add3A, %dma_wait3A_24, %dma_wait3A_25] : memref<32x2500x4xi32, #tpu.memory_space<hbm>> -> memref<1x2500x4xi32, #tpu.memory_space<hbm>>
      %dma_wait3A_27 = tpu.memref_squeeze %dma_wait3A_26 : memref<1x2500x4xi32, #tpu.memory_space<hbm>> -> memref<2500x4xi32, #tpu.memory_space<hbm>>
      tpu.wait_dma2 semaphore(%run_scoped3A : memref<!tpu.dma_semaphore, #tpu.memory_space<semaphore_mem>>) src(%dma_wait3A_27 : memref<2500x4xi32, #tpu.memory_space<hbm>>) dst(%arg4 : memref<2500x4xi32, #tpu.memory_space<vmem>>)
      tpu.yield
    }) : () -> ()
    %broadcast_in_dim3A = arith.constant 0 : i32
    %broadcast_in_dim3A_1 = vector.broadcast %broadcast_in_dim3A : i32 to vector<16xi32>
    %broadcast_in_dim3A_2 = arith.constant 2 : i32
    %broadcast_in_dim3A_3 = vector.broadcast %broadcast_in_dim3A_2 : i32 to vector<16xi32>
    %broadcast_in_dim3A_4 = arith.constant 3 : i32
    %broadcast_in_dim3A_5 = vector.broadcast %broadcast_in_dim3A_4 : i32 to vector<16xi32>
    %scan3A = arith.constant 0 : i32
    %scan3A_6 = arith.constant 0 : i32
    %scan3A_7 = arith.constant 157 : i32
    %scan3A_8 = arith.addi %scan3A_6, %scan3A_7 : i32
    %scan3A_9 = arith.constant 1 : i32
    %scan3A_10 = scf.for %scan3A_14 = %scan3A_6 to %scan3A_8 step %scan3A_9 iter_args(%scan3A_15 = %scan3A) -> (i32)  : i32 {
      %mul3A_16 = arith.constant 16 : i32
      %mul3A_17 = arith.muli %scan3A_14, %mul3A_16 : i32
      %iota3A = tpu.iota {dimensions = array<i32: 0>} : vector<16xi32>
      %add3A_18 = vector.broadcast %mul3A_17 : i32 to vector<16xi32>
      %add3A_19 = arith.addi %add3A_18, %iota3A : vector<16xi32>
      %lt3A = arith.constant 2500 : i32
      %lt3A_20 = vector.broadcast %lt3A : i32 to vector<16xi32>
      %lt3A_21 = arith.cmpi slt, %add3A_19, %lt3A_20 : vector<16xi32>
      %min3A = arith.constant 2499 : i32
      %min3A_22 = vector.broadcast %min3A : i32 to vector<16xi32>
      %min3A_23 = arith.minsi %add3A_19, %min3A_22 : vector<16xi32>
      %gather3A = tpu.vector_load_idx %arg4[%min3A_23, %broadcast_in_dim3A_1] : memref<2500x4xi32, #tpu.memory_space<vmem>>[vector<16xi32>, vector<16xi32>], vector<16xi32>,
      %gather3A_24 = tpu.vector_load_idx %arg4[%min3A_23, %broadcast_in_dim3A_3] : memref<2500x4xi32, #tpu.memory_space<vmem>>[vector<16xi32>, vector<16xi32>], vector<16xi32>,
      %gather3A_25 = tpu.vector_load_idx %arg4[%min3A_23, %broadcast_in_dim3A_5] : memref<2500x4xi32, #tpu.memory_space<vmem>>[vector<16xi32>, vector<16xi32>], vector<16xi32>,
      %mul3A_26 = arith.constant 214272 : i32
      %mul3A_27 = vector.broadcast %mul3A_26 : i32 to vector<16xi32>
      %mul3A_28 = arith.muli %gather3A, %mul3A_27 : vector<16xi32>
      %mul3A_29 = arith.constant 496 : i32
      %mul3A_30 = vector.broadcast %mul3A_29 : i32 to vector<16xi32>
      %mul3A_31 = arith.muli %gather3A_25, %mul3A_30 : vector<16xi32>
      %add3A_32 = arith.addi %mul3A_28, %mul3A_31 : vector<16xi32>
      %add3A_33 = arith.addi %add3A_32, %gather3A_24 : vector<16xi32>
      %jit3A = arith.constant -1 : i32
      %broadcast_in_dim3A_34 = vector.broadcast %jit3A : i32 to vector<16xi32>
      %select_n3A = arith.select %lt3A_21, %add3A_33, %broadcast_in_dim3A_34 : vector<16xi1>, vector<16xi32>
      %mul3A_35 = arith.constant 16 : i32
      %mul3A_36 = arith.muli %scan3A_14, %mul3A_35 : i32
      %swap3A = arith.index_cast %mul3A_36 : i32 to index
      %swap3A_37 = tpu.vector_load %arg5[%swap3A] {strides = array<i32>} : memref<2512xi32, #tpu.memory_space<vmem>>, vector<16xi32>,
      tpu.vector_store %arg5[%swap3A], %select_n3A {strides = array<i32>} : memref<2512xi32, #tpu.memory_space<vmem>>, vector<16xi32>,
      %scan3A_38 = arith.constant 0 : i32
      scf.yield %scan3A_38 : i32
    }
    %scan3A_11 = arith.constant 157 : i32
    %mul3A_12 = arith.constant 2512 : i32
    %mul3A_13 = arith.muli %add3A, %mul3A_12 : i32
    "tpu.region"() ({
      %run_scoped3A = tpu.sem_alloc : memref<!tpu.dma_semaphore, #tpu.memory_space<semaphore_mem>>
      %dma_start3A = tpu.memref_slice %arg3[%mul3A_13] : memref<80384xi32, #tpu.memory_space<hbm>> -> memref<2512xi32, #tpu.memory_space<hbm>>
      %dma_start3A_14 = tpu.memref_slice %arg3[%mul3A_13] : memref<80384xi32, #tpu.memory_space<hbm>> -> memref<2512xi32, #tpu.memory_space<hbm>>
      tpu.enqueue_dma source(%arg5 : memref<2512xi32, #tpu.memory_space<vmem>>) target(%dma_start3A_14 : memref<2512xi32, #tpu.memory_space<hbm>>) target_semaphore(%run_scoped3A : memref<!tpu.dma_semaphore, #tpu.memory_space<semaphore_mem>>)
      %dma_wait3A = tpu.memref_slice %arg3[%mul3A_13] : memref<80384xi32, #tpu.memory_space<hbm>> -> memref<2512xi32, #tpu.memory_space<hbm>>
      %dma_wait3A_15 = tpu.memref_slice %arg3[%mul3A_13] : memref<80384xi32, #tpu.memory_space<hbm>> -> memref<2512xi32, #tpu.memory_space<hbm>>
      tpu.wait_dma2 semaphore(%run_scoped3A : memref<!tpu.dma_semaphore, #tpu.memory_space<semaphore_mem>>) src(%arg5 : memref<2512xi32, #tpu.memory_space<vmem>>) dst(%dma_wait3A_15 : memref<2512xi32, #tpu.memory_space<hbm>>)
      tpu.yield
    }) : () -> ()
    return
  }
}

#map = affine_map<(d0, d1) -> (0)>
module attributes {stable_mosaic.version = 14 : i64} {
  func.func @_sc_winner(%arg0: i32, %arg1: i32, %arg2: memref<80384xi32, #tpu.memory_space<hbm>>, %arg3: memref<857088xi32, #tpu.memory_space<hbm>>, %arg4: memref<80384xi32, #tpu.memory_space<vmem>>, %arg5: memref<26784xi32, #tpu.memory_space<vmem>>) attributes {dimension_semantics = [#tpu.dimension_semantics<core_parallel>, #tpu.dimension_semantics<subcore_parallel>], iteration_bounds = array<i64: 2, 16>, scalar_prefetch = 0 : i64, scratch_operands = 2 : i64, tpu.core_type = #tpu.core_type<sc_vector_subcore>, window_params = [{transform_indices = #map}, {transform_indices = #map}]} {
    %mul3A = arith.constant 2 : i32
    %mul3A_0 = arith.muli %arg1, %mul3A : i32
    %add3A = arith.addi %mul3A_0, %arg0 : i32
    %mul3A_1 = arith.constant 26784 : i32
    %mul3A_2 = arith.muli %add3A, %mul3A_1 : i32
    "tpu.region"() ({
      %run_scoped3A = tpu.sem_alloc : memref<!tpu.dma_semaphore, #tpu.memory_space<semaphore_mem>>
      tpu.enqueue_dma source(%arg2 : memref<80384xi32, #tpu.memory_space<hbm>>) target(%arg4 : memref<80384xi32, #tpu.memory_space<vmem>>) target_semaphore(%run_scoped3A : memref<!tpu.dma_semaphore, #tpu.memory_space<semaphore_mem>>)
      tpu.wait_dma2 semaphore(%run_scoped3A : memref<!tpu.dma_semaphore, #tpu.memory_space<semaphore_mem>>) src(%arg2 : memref<80384xi32, #tpu.memory_space<hbm>>) dst(%arg4 : memref<80384xi32, #tpu.memory_space<vmem>>)
      tpu.yield
    }) : () -> ()
    %broadcast_in_dim3A = arith.constant -1 : i32
    %broadcast_in_dim3A_3 = vector.broadcast %broadcast_in_dim3A : i32 to vector<16xi32>
    %scan3A = arith.constant 0 : i32
    %scan3A_4 = arith.constant 0 : i32
    %scan3A_5 = arith.constant 1674 : i32
    %scan3A_6 = arith.addi %scan3A_4, %scan3A_5 : i32
    %scan3A_7 = arith.constant 1 : i32
    %scan3A_8 = scf.for %scan3A_17 = %scan3A_4 to %scan3A_6 step %scan3A_7 iter_args(%scan3A_18 = %scan3A) -> (i32)  : i32 {
      %mul3A_19 = arith.constant 16 : i32
      %mul3A_20 = arith.muli %scan3A_17, %mul3A_19 : i32
      %swap3A = arith.index_cast %mul3A_20 : i32 to index
      %swap3A_21 = tpu.vector_load %arg5[%swap3A] {strides = array<i32>} : memref<26784xi32, #tpu.memory_space<vmem>>, vector<16xi32>,
      tpu.vector_store %arg5[%swap3A], %broadcast_in_dim3A_3 {strides = array<i32>} : memref<26784xi32, #tpu.memory_space<vmem>>, vector<16xi32>,
      %scan3A_22 = arith.constant 0 : i32
      scf.yield %scan3A_22 : i32
    }
    %scan3A_9 = arith.constant 1674 : i32
    %scan3A_10 = arith.constant 0 : i32
    %scan3A_11 = arith.constant 0 : i32
    %scan3A_12 = arith.constant 5024 : i32
    %scan3A_13 = arith.addi %scan3A_11, %scan3A_12 : i32
    %scan3A_14 = arith.constant 1 : i32
    %scan3A_15 = scf.for %scan3A_17 = %scan3A_11 to %scan3A_13 step %scan3A_14 iter_args(%scan3A_18 = %scan3A_10) -> (i32)  : i32 {
      %mul3A_19 = arith.constant 16 : i32
      %mul3A_20 = arith.muli %scan3A_17, %mul3A_19 : i32
      %get3A = arith.index_cast %mul3A_20 : i32 to index
      %get3A_21 = tpu.vector_load %arg4[%get3A] {strides = array<i32>} : memref<80384xi32, #tpu.memory_space<vmem>>, vector<16xi32>,
      %sub3A = vector.broadcast %mul3A_2 : i32 to vector<16xi32>
      %sub3A_22 = arith.subi %get3A_21, %sub3A : vector<16xi32>
      %lt3A = arith.constant 26784 : i32
      %lt3A_23 = vector.broadcast %lt3A : i32 to vector<16xi32>
      %lt3A_24 = arith.cmpi ult, %sub3A_22, %lt3A_23 : vector<16xi32>
      %reduce_or3A = arith.constant 1.000000e+00 : f32
      %reduce_or3A_25 = arith.constant 0.000000e+00 : f32
      %reduce_or3A_26 = vector.broadcast %reduce_or3A : f32 to vector<16xf32>
      %reduce_or3A_27 = vector.broadcast %reduce_or3A_25 : f32 to vector<16xf32>
      %reduce_or3A_28 = arith.select %lt3A_24, %reduce_or3A_26, %reduce_or3A_27 : vector<16xi1>, vector<16xf32>
      %reduce_or3A_29 = arith.constant true
      %reduce_or3A_30 = vector.broadcast %reduce_or3A_29 : i1 to vector<16xi1>
      %reduce_or3A_31 = tpu.scan <max>, %reduce_or3A_28 masked %reduce_or3A_30 : vector<16xf32>, vector<16xi1> -> vector<16xf32>
      %reduce_or3A_32 = vector.extract %reduce_or3A_31[15] : f32 from vector<16xf32>
      %reduce_or3A_33 = arith.constant 0.000000e+00 : f32
      %reduce_or3A_34 = arith.cmpf ogt, %reduce_or3A_32, %reduce_or3A_33 : f32
      %convert_element_type3A = arith.extui %reduce_or3A_34 : i1 to i32
      %cond3A = arith.constant 0 : i32
      %cond3A_35 = arith.cmpi ne, %convert_element_type3A, %cond3A : i32
      scf.if %cond3A_35 {
        %jit3A = arith.constant 0 : i32
        %broadcast_in_dim3A_37 = vector.broadcast %jit3A : i32 to vector<16xi32>
        %select_n3A = arith.select %lt3A_24, %sub3A_22, %broadcast_in_dim3A_37 : vector<16xi1>, vector<16xi32>
        %mul3A_38 = arith.constant 16 : i32
        %mul3A_39 = arith.muli %scan3A_17, %mul3A_38 : i32
        %iota3A = tpu.iota {dimensions = array<i32: 0>} : vector<16xi32>
        %add3A_40 = vector.broadcast %mul3A_39 : i32 to vector<16xi32>
        %add3A_41 = arith.addi %add3A_40, %iota3A : vector<16xi32>
        %gather3A = tpu.vector_load_idx %arg5[%select_n3A] masked %lt3A_24 : memref<26784xi32, #tpu.memory_space<vmem>>[vector<16xi32>], vector<16xi32>, vector<16xi1>
        %max3A = arith.maxsi %gather3A, %add3A_41 : vector<16xi32>
        tpu.vector_store_idx %arg5[%select_n3A], %max3A masked %lt3A_24 : memref<26784xi32, #tpu.memory_space<vmem>>[vector<16xi32>], vector<16xi32>, vector<16xi1>
      } else {
      }
      %scan3A_36 = arith.constant 0 : i32
      scf.yield %scan3A_36 : i32
    }
    %scan3A_16 = arith.constant 5024 : i32
    "tpu.region"() ({
      %run_scoped3A = tpu.sem_alloc : memref<!tpu.dma_semaphore, #tpu.memory_space<semaphore_mem>>
      %dma_start3A = tpu.memref_slice %arg3[%mul3A_2] : memref<857088xi32, #tpu.memory_space<hbm>> -> memref<26784xi32, #tpu.memory_space<hbm>>
      %dma_start3A_17 = tpu.memref_slice %arg3[%mul3A_2] : memref<857088xi32, #tpu.memory_space<hbm>> -> memref<26784xi32, #tpu.memory_space<hbm>>
      tpu.enqueue_dma source(%arg5 : memref<26784xi32, #tpu.memory_space<vmem>>) target(%dma_start3A_17 : memref<26784xi32, #tpu.memory_space<hbm>>) target_semaphore(%run_scoped3A : memref<!tpu.dma_semaphore, #tpu.memory_space<semaphore_mem>>)
      %dma_wait3A = tpu.memref_slice %arg3[%mul3A_2] : memref<857088xi32, #tpu.memory_space<hbm>> -> memref<26784xi32, #tpu.memory_space<hbm>>
      %dma_wait3A_18 = tpu.memref_slice %arg3[%mul3A_2] : memref<857088xi32, #tpu.memory_space<hbm>> -> memref<26784xi32, #tpu.memory_space<hbm>>
      tpu.wait_dma2 semaphore(%run_scoped3A : memref<!tpu.dma_semaphore, #tpu.memory_space<semaphore_mem>>) src(%arg5 : memref<26784xi32, #tpu.memory_space<vmem>>) dst(%dma_wait3A_18 : memref<26784xi32, #tpu.memory_space<hbm>>)
      tpu.yield
    }) : () -> ()
    return
  }
}

#map = affine_map<(d0, d1) -> (0, 0, 0)>
#map1 = affine_map<(d0, d1) -> (0)>
#map2 = affine_map<(d0, d1) -> (0, 0)>
module attributes {stable_mosaic.version = 14 : i64} {
  func.func @_sc_scatter(%arg0: i32, %arg1: i32, %arg2: memref<32x2560x64xf32, #tpu.memory_space<hbm>>, %arg3: memref<80384xi32, #tpu.memory_space<hbm>>, %arg4: memref<857088xi32, #tpu.memory_space<hbm>>, %arg5: memref<892928x64xf32, #tpu.memory_space<hbm>>, %arg6: memref<2560xi32, #tpu.memory_space<vmem>>, %arg7: memref<20x128xi32, #tpu.memory_space<vmem>>, %arg8: memref<20x128xi32, #tpu.memory_space<vmem>>, %arg9: memref<20x128xi32, #tpu.memory_space<vmem>>, %arg10: memref<128x64xf32, #tpu.memory_space<vmem>>, %arg11: memref<!tpu.dma_semaphore, #tpu.memory_space<semaphore_mem>>) attributes {dimension_semantics = [#tpu.dimension_semantics<core_parallel>, #tpu.dimension_semantics<subcore_parallel>], iteration_bounds = array<i64: 2, 16>, scalar_prefetch = 0 : i64, scratch_operands = 6 : i64, tpu.core_type = #tpu.core_type<sc_vector_subcore>, window_params = [{transform_indices = #map}, {transform_indices = #map1}, {transform_indices = #map1}, {transform_indices = #map2}]} {
    %mul3A = arith.constant 2 : i32
    %mul3A_0 = arith.muli %arg1, %mul3A : i32
    %add3A = arith.addi %mul3A_0, %arg0 : i32
    %mul3A_1 = arith.constant 2512 : i32
    %mul3A_2 = arith.muli %add3A, %mul3A_1 : i32
    "tpu.region"() ({
      %run_scoped3A = tpu.sem_alloc : memref<!tpu.dma_semaphore, #tpu.memory_space<semaphore_mem>>
      %dma_start3A = arith.constant 0 : i32
      %dma_start3A_30 = tpu.memref_slice %arg6[%dma_start3A] : memref<2560xi32, #tpu.memory_space<vmem>> -> memref<2512xi32, #tpu.memory_space<vmem>>
      %dma_start3A_31 = tpu.memref_slice %arg3[%mul3A_2] : memref<80384xi32, #tpu.memory_space<hbm>> -> memref<2512xi32, #tpu.memory_space<hbm>>
      %dma_start3A_32 = arith.constant 0 : i32
      %dma_start3A_33 = tpu.memref_slice %arg6[%dma_start3A_32] : memref<2560xi32, #tpu.memory_space<vmem>> -> memref<2512xi32, #tpu.memory_space<vmem>>
      %dma_start3A_34 = tpu.memref_slice %arg3[%mul3A_2] : memref<80384xi32, #tpu.memory_space<hbm>> -> memref<2512xi32, #tpu.memory_space<hbm>>
      tpu.enqueue_dma source(%dma_start3A_34 : memref<2512xi32, #tpu.memory_space<hbm>>) target(%dma_start3A_33 : memref<2512xi32, #tpu.memory_space<vmem>>) target_semaphore(%run_scoped3A : memref<!tpu.dma_semaphore, #tpu.memory_space<semaphore_mem>>)
      %dma_wait3A = arith.constant 0 : i32
      %dma_wait3A_35 = tpu.memref_slice %arg6[%dma_wait3A] : memref<2560xi32, #tpu.memory_space<vmem>> -> memref<2512xi32, #tpu.memory_space<vmem>>
      %dma_wait3A_36 = tpu.memref_slice %arg3[%mul3A_2] : memref<80384xi32, #tpu.memory_space<hbm>> -> memref<2512xi32, #tpu.memory_space<hbm>>
      %dma_wait3A_37 = arith.constant 0 : i32
      %dma_wait3A_38 = tpu.memref_slice %arg6[%dma_wait3A_37] : memref<2560xi32, #tpu.memory_space<vmem>> -> memref<2512xi32, #tpu.memory_space<vmem>>
      %dma_wait3A_39 = tpu.memref_slice %arg3[%mul3A_2] : memref<80384xi32, #tpu.memory_space<hbm>> -> memref<2512xi32, #tpu.memory_space<hbm>>
      tpu.wait_dma2 semaphore(%run_scoped3A : memref<!tpu.dma_semaphore, #tpu.memory_space<semaphore_mem>>) src(%dma_wait3A_39 : memref<2512xi32, #tpu.memory_space<hbm>>) dst(%dma_wait3A_38 : memref<2512xi32, #tpu.memory_space<vmem>>)
      tpu.yield
    }) : () -> ()
    %scan3A = arith.constant 0 : i32
    %scan3A_3 = arith.constant 0 : i32
    %scan3A_4 = arith.constant 160 : i32
    %scan3A_5 = arith.addi %scan3A_3, %scan3A_4 : i32
    %scan3A_6 = arith.constant 1 : i32
    %scan3A_7 = scf.for %scan3A_30 = %scan3A_3 to %scan3A_5 step %scan3A_6 iter_args(%scan3A_31 = %scan3A) -> (i32)  : i32 {
      %mul3A_32 = arith.constant 16 : i32
      %mul3A_33 = arith.muli %scan3A_30, %mul3A_32 : i32
      %iota3A = tpu.iota {dimensions = array<i32: 0>} : vector<16xi32>
      %add3A_34 = vector.broadcast %mul3A_33 : i32 to vector<16xi32>
      %add3A_35 = arith.addi %add3A_34, %iota3A : vector<16xi32>
      %lt3A = arith.constant 2500 : i32
      %lt3A_36 = vector.broadcast %lt3A : i32 to vector<16xi32>
      %lt3A_37 = arith.cmpi slt, %add3A_35, %lt3A_36 : vector<16xi32>
      %mul3A_38 = arith.constant 16 : i32
      %mul3A_39 = arith.muli %scan3A_30, %mul3A_38 : i32
      %get3A = arith.index_cast %mul3A_39 : i32 to index
      %get3A_40 = tpu.vector_load %arg6[%get3A] {strides = array<i32>} : memref<2560xi32, #tpu.memory_space<vmem>>, vector<16xi32>,
      %jit3A = arith.constant 0 : i32
      %broadcast_in_dim3A = vector.broadcast %jit3A : i32 to vector<16xi32>
      %select_n3A = arith.select %lt3A_37, %get3A_40, %broadcast_in_dim3A : vector<16xi1>, vector<16xi32>
      %jit3A_41 = arith.constant 128 : i32
      %div3A = vector.broadcast %jit3A_41 : i32 to vector<16xi32>
      %div3A_42 = arith.divsi %add3A_35, %div3A : vector<16xi32>
      %sign3A = arith.constant 0 : i32
      %sign3A_43 = vector.broadcast %sign3A : i32 to vector<16xi32>
      %sign3A_44 = arith.cmpi sgt, %add3A_35, %sign3A_43 : vector<16xi32>
      %sign3A_45 = arith.extui %sign3A_44 : vector<16xi1> to vector<16xi32>
      %sign3A_46 = arith.constant 0 : i32
      %sign3A_47 = vector.broadcast %sign3A_46 : i32 to vector<16xi32>
      %sign3A_48 = arith.cmpi slt, %add3A_35, %sign3A_47 : vector<16xi32>
      %sign3A_49 = arith.extui %sign3A_48 : vector<16xi1> to vector<16xi32>
      %sign3A_50 = arith.subi %sign3A_45, %sign3A_49 : vector<16xi32>
      %sign3A_51 = arith.constant 0 : i32
      %sign3A_52 = arith.cmpi sgt, %jit3A_41, %sign3A_51 : i32
      %sign3A_53 = arith.extui %sign3A_52 : i1 to i32
      %sign3A_54 = arith.constant 0 : i32
      %sign3A_55 = arith.cmpi slt, %jit3A_41, %sign3A_54 : i32
      %sign3A_56 = arith.extui %sign3A_55 : i1 to i32
      %sign3A_57 = arith.subi %sign3A_53, %sign3A_56 : i32
      %ne3A = vector.broadcast %sign3A_57 : i32 to vector<16xi32>
      %ne3A_58 = arith.cmpi ne, %sign3A_50, %ne3A : vector<16xi32>
      %rem3A = vector.broadcast %jit3A_41 : i32 to vector<16xi32>
      %rem3A_59 = arith.remsi %add3A_35, %rem3A : vector<16xi32>
      %ne3A_60 = arith.constant 0 : i32
      %ne3A_61 = vector.broadcast %ne3A_60 : i32 to vector<16xi32>
      %ne3A_62 = arith.cmpi ne, %rem3A_59, %ne3A_61 : vector<16xi32>
      %and3A = arith.andi %ne3A_58, %ne3A_62 : vector<16xi1>
      %sub3A = arith.constant 1 : i32
      %sub3A_63 = vector.broadcast %sub3A : i32 to vector<16xi32>
      %sub3A_64 = arith.subi %div3A_42, %sub3A_63 : vector<16xi32>
      %select_n3A_65 = arith.select %and3A, %sub3A_64, %div3A_42 : vector<16xi1>, vector<16xi32>
      %jit3A_66 = arith.constant 128 : i32
      %eq3A = arith.constant 0 : i32
      %eq3A_67 = arith.cmpi eq, %jit3A_66, %eq3A : i32
      %jit3A_68 = arith.constant 1 : i32
      %select_n3A_69 = arith.select %eq3A_67, %jit3A_68, %jit3A_66 : i32
      %rem3A_70 = vector.broadcast %select_n3A_69 : i32 to vector<16xi32>
      %rem3A_71 = arith.remsi %add3A_35, %rem3A_70 : vector<16xi32>
      %ne3A_72 = arith.constant 0 : i32
      %ne3A_73 = vector.broadcast %ne3A_72 : i32 to vector<16xi32>
      %ne3A_74 = arith.cmpi ne, %rem3A_71, %ne3A_73 : vector<16xi32>
      %lt3A_75 = arith.constant 0 : i32
      %lt3A_76 = vector.broadcast %lt3A_75 : i32 to vector<16xi32>
      %lt3A_77 = arith.cmpi slt, %rem3A_71, %lt3A_76 : vector<16xi32>
      %lt3A_78 = arith.constant 0 : i32
      %lt3A_79 = arith.cmpi slt, %select_n3A_69, %lt3A_78 : i32
      %ne3A_80 = vector.broadcast %lt3A_79 : i1 to vector<16xi1>
      %ne3A_81 = vector.broadcast %ne3A_80 : vector<16xi1> to vector<16xi1>
      %ne3A_82 = arith.xori %lt3A_77, %ne3A_81 : vector<16xi1>
      %and3A_83 = arith.andi %ne3A_82, %ne3A_74 : vector<16xi1>
      %add3A_84 = vector.broadcast %select_n3A_69 : i32 to vector<16xi32>
      %add3A_85 = arith.addi %rem3A_71, %add3A_84 : vector<16xi32>
      %select_n3A_86 = arith.select %and3A_83, %add3A_85, %rem3A_71 : vector<16xi1>, vector<16xi32>
      tpu.vector_store_idx %arg7[%select_n3A_65, %select_n3A_86], %select_n3A : memref<20x128xi32, #tpu.memory_space<vmem>>[vector<16xi32>, vector<16xi32>], vector<16xi32>,
      %scan3A_87 = arith.constant 0 : i32
      scf.yield %scan3A_87 : i32
    }
    %scan3A_8 = arith.constant 160 : i32
    %scan3A_9 = arith.constant 0 : i32
    %scan3A_10 = arith.constant 0 : i32
    %scan3A_11 = arith.constant 20 : i32
    %scan3A_12 = arith.addi %scan3A_10, %scan3A_11 : i32
    %scan3A_13 = arith.constant 1 : i32
    %scan3A_14 = scf.for %scan3A_30 = %scan3A_10 to %scan3A_12 step %scan3A_13 iter_args(%scan3A_31 = %scan3A_9) -> (i32)  : i32 {
      %dma_start3A = arith.constant 0 : i32
      %dma_start3A_32 = tpu.memref_slice %arg8[%scan3A_30, %dma_start3A] : memref<20x128xi32, #tpu.memory_space<vmem>> -> memref<1x128xi32, #tpu.memory_space<vmem>>
      %dma_start3A_33 = tpu.memref_squeeze %dma_start3A_32 : memref<1x128xi32, #tpu.memory_space<vmem>> -> memref<128xi32, #tpu.memory_space<vmem>>
      %dma_start3A_34 = arith.constant 0 : i32
      %dma_start3A_35 = tpu.memref_slice %arg7[%scan3A_30, %dma_start3A_34] : memref<20x128xi32, #tpu.memory_space<vmem>> -> memref<1x128xi32, #tpu.memory_space<vmem>>
      %dma_start3A_36 = tpu.memref_squeeze %dma_start3A_35 : memref<1x128xi32, #tpu.memory_space<vmem>> -> memref<128xi32, #tpu.memory_space<vmem>>
      %dma_start3A_37 = arith.constant 0 : i32
      %dma_start3A_38 = tpu.memref_slice %arg4[%dma_start3A_37] : memref<857088xi32, #tpu.memory_space<hbm>> -> memref<857088xi32, #tpu.memory_space<hbm>>
      tpu.enqueue_indirect_dma source(%dma_start3A_38 : memref<857088xi32, #tpu.memory_space<hbm>>) target(%dma_start3A_33 : memref<128xi32, #tpu.memory_space<vmem>>) offsets(%dma_start3A_36 : memref<128xi32, #tpu.memory_space<vmem>>) semaphore(%arg11 : memref<!tpu.dma_semaphore, #tpu.memory_space<semaphore_mem>>)
      %dma_wait3A = arith.constant 0 : i32
      %dma_wait3A_39 = tpu.memref_slice %arg8[%scan3A_30, %dma_wait3A] : memref<20x128xi32, #tpu.memory_space<vmem>> -> memref<1x128xi32, #tpu.memory_space<vmem>>
      %dma_wait3A_40 = tpu.memref_squeeze %dma_wait3A_39 : memref<1x128xi32, #tpu.memory_space<vmem>> -> memref<128xi32, #tpu.memory_space<vmem>>
      %dma_wait3A_41 = arith.constant 0 : i32
      %dma_wait3A_42 = tpu.memref_slice %arg7[%scan3A_30, %dma_wait3A_41] : memref<20x128xi32, #tpu.memory_space<vmem>> -> memref<1x128xi32, #tpu.memory_space<vmem>>
      %dma_wait3A_43 = tpu.memref_squeeze %dma_wait3A_42 : memref<1x128xi32, #tpu.memory_space<vmem>> -> memref<128xi32, #tpu.memory_space<vmem>>
      %dma_wait3A_44 = arith.constant 0 : i32
      %dma_wait3A_45 = tpu.memref_slice %arg4[%dma_wait3A_44] : memref<857088xi32, #tpu.memory_space<hbm>> -> memref<857088xi32, #tpu.memory_space<hbm>>
      tpu.wait_indirect_dma semaphore(%arg11 : memref<!tpu.dma_semaphore, #tpu.memory_space<semaphore_mem>>) src(%dma_wait3A_45 : memref<857088xi32, #tpu.memory_space<hbm>>) dst(%dma_wait3A_40 : memref<128xi32, #tpu.memory_space<vmem>>)
      %scan3A_46 = arith.constant 0 : i32
      scf.yield %scan3A_46 : i32
    }
    %scan3A_15 = arith.constant 20 : i32
    %scan3A_16 = arith.constant 0 : i32
    %scan3A_17 = arith.constant 0 : i32
    %scan3A_18 = arith.constant 160 : i32
    %scan3A_19 = arith.addi %scan3A_17, %scan3A_18 : i32
    %scan3A_20 = arith.constant 1 : i32
    %scan3A_21 = scf.for %scan3A_30 = %scan3A_17 to %scan3A_19 step %scan3A_20 iter_args(%scan3A_31 = %scan3A_16) -> (i32)  : i32 {
      %mul3A_32 = arith.constant 16 : i32
      %mul3A_33 = arith.muli %scan3A_30, %mul3A_32 : i32
      %iota3A = tpu.iota {dimensions = array<i32: 0>} : vector<16xi32>
      %add3A_34 = vector.broadcast %mul3A_33 : i32 to vector<16xi32>
      %add3A_35 = arith.addi %add3A_34, %iota3A : vector<16xi32>
      %lt3A = arith.constant 2500 : i32
      %lt3A_36 = vector.broadcast %lt3A : i32 to vector<16xi32>
      %lt3A_37 = arith.cmpi slt, %add3A_35, %lt3A_36 : vector<16xi32>
      %mul3A_38 = arith.constant 16 : i32
      %mul3A_39 = arith.muli %scan3A_30, %mul3A_38 : i32
      %get3A = arith.index_cast %mul3A_39 : i32 to index
      %get3A_40 = tpu.vector_load %arg6[%get3A] {strides = array<i32>} : memref<2560xi32, #tpu.memory_space<vmem>>, vector<16xi32>,
      %jit3A = arith.constant 128 : i32
      %div3A = vector.broadcast %jit3A : i32 to vector<16xi32>
      %div3A_41 = arith.divsi %add3A_35, %div3A : vector<16xi32>
      %sign3A = arith.constant 0 : i32
      %sign3A_42 = vector.broadcast %sign3A : i32 to vector<16xi32>
      %sign3A_43 = arith.cmpi sgt, %add3A_35, %sign3A_42 : vector<16xi32>
      %sign3A_44 = arith.extui %sign3A_43 : vector<16xi1> to vector<16xi32>
      %sign3A_45 = arith.constant 0 : i32
      %sign3A_46 = vector.broadcast %sign3A_45 : i32 to vector<16xi32>
      %sign3A_47 = arith.cmpi slt, %add3A_35, %sign3A_46 : vector<16xi32>
      %sign3A_48 = arith.extui %sign3A_47 : vector<16xi1> to vector<16xi32>
      %sign3A_49 = arith.subi %sign3A_44, %sign3A_48 : vector<16xi32>
      %sign3A_50 = arith.constant 0 : i32
      %sign3A_51 = arith.cmpi sgt, %jit3A, %sign3A_50 : i32
      %sign3A_52 = arith.extui %sign3A_51 : i1 to i32
      %sign3A_53 = arith.constant 0 : i32
      %sign3A_54 = arith.cmpi slt, %jit3A, %sign3A_53 : i32
      %sign3A_55 = arith.extui %sign3A_54 : i1 to i32
      %sign3A_56 = arith.subi %sign3A_52, %sign3A_55 : i32
      %ne3A = vector.broadcast %sign3A_56 : i32 to vector<16xi32>
      %ne3A_57 = arith.cmpi ne, %sign3A_49, %ne3A : vector<16xi32>
      %rem3A = vector.broadcast %jit3A : i32 to vector<16xi32>
      %rem3A_58 = arith.remsi %add3A_35, %rem3A : vector<16xi32>
      %ne3A_59 = arith.constant 0 : i32
      %ne3A_60 = vector.broadcast %ne3A_59 : i32 to vector<16xi32>
      %ne3A_61 = arith.cmpi ne, %rem3A_58, %ne3A_60 : vector<16xi32>
      %and3A = arith.andi %ne3A_57, %ne3A_61 : vector<16xi1>
      %sub3A = arith.constant 1 : i32
      %sub3A_62 = vector.broadcast %sub3A : i32 to vector<16xi32>
      %sub3A_63 = arith.subi %div3A_41, %sub3A_62 : vector<16xi32>
      %select_n3A = arith.select %and3A, %sub3A_63, %div3A_41 : vector<16xi1>, vector<16xi32>
      %jit3A_64 = arith.constant 128 : i32
      %eq3A = arith.constant 0 : i32
      %eq3A_65 = arith.cmpi eq, %jit3A_64, %eq3A : i32
      %jit3A_66 = arith.constant 1 : i32
      %select_n3A_67 = arith.select %eq3A_65, %jit3A_66, %jit3A_64 : i32
      %rem3A_68 = vector.broadcast %select_n3A_67 : i32 to vector<16xi32>
      %rem3A_69 = arith.remsi %add3A_35, %rem3A_68 : vector<16xi32>
      %ne3A_70 = arith.constant 0 : i32
      %ne3A_71 = vector.broadcast %ne3A_70 : i32 to vector<16xi32>
      %ne3A_72 = arith.cmpi ne, %rem3A_69, %ne3A_71 : vector<16xi32>
      %lt3A_73 = arith.constant 0 : i32
      %lt3A_74 = vector.broadcast %lt3A_73 : i32 to vector<16xi32>
      %lt3A_75 = arith.cmpi slt, %rem3A_69, %lt3A_74 : vector<16xi32>
      %lt3A_76 = arith.constant 0 : i32
      %lt3A_77 = arith.cmpi slt, %select_n3A_67, %lt3A_76 : i32
      %ne3A_78 = vector.broadcast %lt3A_77 : i1 to vector<16xi1>
      %ne3A_79 = vector.broadcast %ne3A_78 : vector<16xi1> to vector<16xi1>
      %ne3A_80 = arith.xori %lt3A_75, %ne3A_79 : vector<16xi1>
      %and3A_81 = arith.andi %ne3A_80, %ne3A_72 : vector<16xi1>
      %add3A_82 = vector.broadcast %select_n3A_67 : i32 to vector<16xi32>
      %add3A_83 = arith.addi %rem3A_69, %add3A_82 : vector<16xi32>
      %select_n3A_84 = arith.select %and3A_81, %add3A_83, %rem3A_69 : vector<16xi1>, vector<16xi32>
      %gather3A = tpu.vector_load_idx %arg8[%select_n3A, %select_n3A_84] : memref<20x128xi32, #tpu.memory_space<vmem>>[vector<16xi32>, vector<16xi32>], vector<16xi32>,
      %add3A_85 = vector.broadcast %mul3A_2 : i32 to vector<16xi32>
      %add3A_86 = arith.addi %add3A_85, %add3A_35 : vector<16xi32>
      %eq3A_87 = arith.cmpi eq, %gather3A, %add3A_86 : vector<16xi32>
      %and3A_88 = arith.andi %eq3A_87, %lt3A_37 : vector<16xi1>
      %jit3A_89 = arith.constant 214272 : i32
      %div3A_90 = vector.broadcast %jit3A_89 : i32 to vector<16xi32>
      %div3A_91 = arith.divsi %get3A_40, %div3A_90 : vector<16xi32>
      %sign3A_92 = arith.constant 0 : i32
      %sign3A_93 = vector.broadcast %sign3A_92 : i32 to vector<16xi32>
      %sign3A_94 = arith.cmpi sgt, %get3A_40, %sign3A_93 : vector<16xi32>
      %sign3A_95 = arith.extui %sign3A_94 : vector<16xi1> to vector<16xi32>
      %sign3A_96 = arith.constant 0 : i32
      %sign3A_97 = vector.broadcast %sign3A_96 : i32 to vector<16xi32>
      %sign3A_98 = arith.cmpi slt, %get3A_40, %sign3A_97 : vector<16xi32>
      %sign3A_99 = arith.extui %sign3A_98 : vector<16xi1> to vector<16xi32>
      %sign3A_100 = arith.subi %sign3A_95, %sign3A_99 : vector<16xi32>
      %sign3A_101 = arith.constant 0 : i32
      %sign3A_102 = arith.cmpi sgt, %jit3A_89, %sign3A_101 : i32
      %sign3A_103 = arith.extui %sign3A_102 : i1 to i32
      %sign3A_104 = arith.constant 0 : i32
      %sign3A_105 = arith.cmpi slt, %jit3A_89, %sign3A_104 : i32
      %sign3A_106 = arith.extui %sign3A_105 : i1 to i32
      %sign3A_107 = arith.subi %sign3A_103, %sign3A_106 : i32
      %ne3A_108 = vector.broadcast %sign3A_107 : i32 to vector<16xi32>
      %ne3A_109 = arith.cmpi ne, %sign3A_100, %ne3A_108 : vector<16xi32>
      %rem3A_110 = vector.broadcast %jit3A_89 : i32 to vector<16xi32>
      %rem3A_111 = arith.remsi %get3A_40, %rem3A_110 : vector<16xi32>
      %ne3A_112 = arith.constant 0 : i32
      %ne3A_113 = vector.broadcast %ne3A_112 : i32 to vector<16xi32>
      %ne3A_114 = arith.cmpi ne, %rem3A_111, %ne3A_113 : vector<16xi32>
      %and3A_115 = arith.andi %ne3A_109, %ne3A_114 : vector<16xi1>
      %sub3A_116 = arith.constant 1 : i32
      %sub3A_117 = vector.broadcast %sub3A_116 : i32 to vector<16xi32>
      %sub3A_118 = arith.subi %div3A_91, %sub3A_117 : vector<16xi32>
      %select_n3A_119 = arith.select %and3A_115, %sub3A_118, %div3A_91 : vector<16xi1>, vector<16xi32>
      %mul3A_120 = arith.constant 214272 : i32
      %mul3A_121 = vector.broadcast %mul3A_120 : i32 to vector<16xi32>
      %mul3A_122 = arith.muli %select_n3A_119, %mul3A_121 : vector<16xi32>
      %sub3A_123 = arith.subi %get3A_40, %mul3A_122 : vector<16xi32>
      %jit3A_124 = arith.constant 496 : i32
      %div3A_125 = vector.broadcast %jit3A_124 : i32 to vector<16xi32>
      %div3A_126 = arith.divsi %sub3A_123, %div3A_125 : vector<16xi32>
      %sign3A_127 = arith.constant 0 : i32
      %sign3A_128 = vector.broadcast %sign3A_127 : i32 to vector<16xi32>
      %sign3A_129 = arith.cmpi sgt, %sub3A_123, %sign3A_128 : vector<16xi32>
      %sign3A_130 = arith.extui %sign3A_129 : vector<16xi1> to vector<16xi32>
      %sign3A_131 = arith.constant 0 : i32
      %sign3A_132 = vector.broadcast %sign3A_131 : i32 to vector<16xi32>
      %sign3A_133 = arith.cmpi slt, %sub3A_123, %sign3A_132 : vector<16xi32>
      %sign3A_134 = arith.extui %sign3A_133 : vector<16xi1> to vector<16xi32>
      %sign3A_135 = arith.subi %sign3A_130, %sign3A_134 : vector<16xi32>
      %sign3A_136 = arith.constant 0 : i32
      %sign3A_137 = arith.cmpi sgt, %jit3A_124, %sign3A_136 : i32
      %sign3A_138 = arith.extui %sign3A_137 : i1 to i32
      %sign3A_139 = arith.constant 0 : i32
      %sign3A_140 = arith.cmpi slt, %jit3A_124, %sign3A_139 : i32
      %sign3A_141 = arith.extui %sign3A_140 : i1 to i32
      %sign3A_142 = arith.subi %sign3A_138, %sign3A_141 : i32
      %ne3A_143 = vector.broadcast %sign3A_142 : i32 to vector<16xi32>
      %ne3A_144 = arith.cmpi ne, %sign3A_135, %ne3A_143 : vector<16xi32>
      %rem3A_145 = vector.broadcast %jit3A_124 : i32 to vector<16xi32>
      %rem3A_146 = arith.remsi %sub3A_123, %rem3A_145 : vector<16xi32>
      %ne3A_147 = arith.constant 0 : i32
      %ne3A_148 = vector.broadcast %ne3A_147 : i32 to vector<16xi32>
      %ne3A_149 = arith.cmpi ne, %rem3A_146, %ne3A_148 : vector<16xi32>
      %and3A_150 = arith.andi %ne3A_144, %ne3A_149 : vector<16xi1>
      %sub3A_151 = arith.constant 1 : i32
      %sub3A_152 = vector.broadcast %sub3A_151 : i32 to vector<16xi32>
      %sub3A_153 = arith.subi %div3A_126, %sub3A_152 : vector<16xi32>
      %select_n3A_154 = arith.select %and3A_150, %sub3A_153, %div3A_126 : vector<16xi1>, vector<16xi32>
      %mul3A_155 = arith.constant 496 : i32
      %mul3A_156 = vector.broadcast %mul3A_155 : i32 to vector<16xi32>
      %mul3A_157 = arith.muli %select_n3A_154, %mul3A_156 : vector<16xi32>
      %sub3A_158 = arith.subi %sub3A_123, %mul3A_157 : vector<16xi32>
      %jit3A_159 = arith.constant 256 : i32
      %div3A_160 = vector.broadcast %jit3A_159 : i32 to vector<16xi32>
      %div3A_161 = arith.divsi %sub3A_158, %div3A_160 : vector<16xi32>
      %sign3A_162 = arith.constant 0 : i32
      %sign3A_163 = vector.broadcast %sign3A_162 : i32 to vector<16xi32>
      %sign3A_164 = arith.cmpi sgt, %sub3A_158, %sign3A_163 : vector<16xi32>
      %sign3A_165 = arith.extui %sign3A_164 : vector<16xi1> to vector<16xi32>
      %sign3A_166 = arith.constant 0 : i32
      %sign3A_167 = vector.broadcast %sign3A_166 : i32 to vector<16xi32>
      %sign3A_168 = arith.cmpi slt, %sub3A_158, %sign3A_167 : vector<16xi32>
      %sign3A_169 = arith.extui %sign3A_168 : vector<16xi1> to vector<16xi32>
      %sign3A_170 = arith.subi %sign3A_165, %sign3A_169 : vector<16xi32>
      %sign3A_171 = arith.constant 0 : i32
      %sign3A_172 = arith.cmpi sgt, %jit3A_159, %sign3A_171 : i32
      %sign3A_173 = arith.extui %sign3A_172 : i1 to i32
      %sign3A_174 = arith.constant 0 : i32
      %sign3A_175 = arith.cmpi slt, %jit3A_159, %sign3A_174 : i32
      %sign3A_176 = arith.extui %sign3A_175 : i1 to i32
      %sign3A_177 = arith.subi %sign3A_173, %sign3A_176 : i32
      %ne3A_178 = vector.broadcast %sign3A_177 : i32 to vector<16xi32>
      %ne3A_179 = arith.cmpi ne, %sign3A_170, %ne3A_178 : vector<16xi32>
      %rem3A_180 = vector.broadcast %jit3A_159 : i32 to vector<16xi32>
      %rem3A_181 = arith.remsi %sub3A_158, %rem3A_180 : vector<16xi32>
      %ne3A_182 = arith.constant 0 : i32
      %ne3A_183 = vector.broadcast %ne3A_182 : i32 to vector<16xi32>
      %ne3A_184 = arith.cmpi ne, %rem3A_181, %ne3A_183 : vector<16xi32>
      %and3A_185 = arith.andi %ne3A_179, %ne3A_184 : vector<16xi1>
      %sub3A_186 = arith.constant 1 : i32
      %sub3A_187 = vector.broadcast %sub3A_186 : i32 to vector<16xi32>
      %sub3A_188 = arith.subi %div3A_161, %sub3A_187 : vector<16xi32>
      %select_n3A_189 = arith.select %and3A_185, %sub3A_188, %div3A_161 : vector<16xi1>, vector<16xi32>
      %mul3A_190 = arith.constant 256 : i32
      %mul3A_191 = vector.broadcast %mul3A_190 : i32 to vector<16xi32>
      %mul3A_192 = arith.muli %select_n3A_189, %mul3A_191 : vector<16xi32>
      %sub3A_193 = arith.subi %sub3A_158, %mul3A_192 : vector<16xi32>
      %mul3A_194 = arith.constant 432 : i32
      %mul3A_195 = vector.broadcast %mul3A_194 : i32 to vector<16xi32>
      %mul3A_196 = arith.muli %select_n3A_119, %mul3A_195 : vector<16xi32>
      %add3A_197 = arith.addi %mul3A_196, %select_n3A_154 : vector<16xi32>
      %mul3A_198 = arith.constant 512 : i32
      %mul3A_199 = vector.broadcast %mul3A_198 : i32 to vector<16xi32>
      %mul3A_200 = arith.muli %add3A_197, %mul3A_199 : vector<16xi32>
      %mul3A_201 = arith.constant 2 : i32
      %mul3A_202 = vector.broadcast %mul3A_201 : i32 to vector<16xi32>
      %mul3A_203 = arith.muli %sub3A_193, %mul3A_202 : vector<16xi32>
      %add3A_204 = arith.addi %mul3A_200, %mul3A_203 : vector<16xi32>
      %add3A_205 = arith.addi %add3A_204, %select_n3A_189 : vector<16xi32>
      %jit3A_206 = arith.constant 884736 : i32
      %broadcast_in_dim3A = vector.broadcast %jit3A_206 : i32 to vector<16xi32>
      %select_n3A_207 = arith.select %and3A_88, %add3A_205, %broadcast_in_dim3A : vector<16xi1>, vector<16xi32>
      %jit3A_208 = arith.constant 128 : i32
      %div3A_209 = vector.broadcast %jit3A_208 : i32 to vector<16xi32>
      %div3A_210 = arith.divsi %add3A_35, %div3A_209 : vector<16xi32>
      %sign3A_211 = arith.constant 0 : i32
      %sign3A_212 = vector.broadcast %sign3A_211 : i32 to vector<16xi32>
      %sign3A_213 = arith.cmpi sgt, %add3A_35, %sign3A_212 : vector<16xi32>
      %sign3A_214 = arith.extui %sign3A_213 : vector<16xi1> to vector<16xi32>
      %sign3A_215 = arith.constant 0 : i32
      %sign3A_216 = vector.broadcast %sign3A_215 : i32 to vector<16xi32>
      %sign3A_217 = arith.cmpi slt, %add3A_35, %sign3A_216 : vector<16xi32>
      %sign3A_218 = arith.extui %sign3A_217 : vector<16xi1> to vector<16xi32>
      %sign3A_219 = arith.subi %sign3A_214, %sign3A_218 : vector<16xi32>
      %sign3A_220 = arith.constant 0 : i32
      %sign3A_221 = arith.cmpi sgt, %jit3A_208, %sign3A_220 : i32
      %sign3A_222 = arith.extui %sign3A_221 : i1 to i32
      %sign3A_223 = arith.constant 0 : i32
      %sign3A_224 = arith.cmpi slt, %jit3A_208, %sign3A_223 : i32
      %sign3A_225 = arith.extui %sign3A_224 : i1 to i32
      %sign3A_226 = arith.subi %sign3A_222, %sign3A_225 : i32
      %ne3A_227 = vector.broadcast %sign3A_226 : i32 to vector<16xi32>
      %ne3A_228 = arith.cmpi ne, %sign3A_219, %ne3A_227 : vector<16xi32>
      %rem3A_229 = vector.broadcast %jit3A_208 : i32 to vector<16xi32>
      %rem3A_230 = arith.remsi %add3A_35, %rem3A_229 : vector<16xi32>
      %ne3A_231 = arith.constant 0 : i32
      %ne3A_232 = vector.broadcast %ne3A_231 : i32 to vector<16xi32>
      %ne3A_233 = arith.cmpi ne, %rem3A_230, %ne3A_232 : vector<16xi32>
      %and3A_234 = arith.andi %ne3A_228, %ne3A_233 : vector<16xi1>
      %sub3A_235 = arith.constant 1 : i32
      %sub3A_236 = vector.broadcast %sub3A_235 : i32 to vector<16xi32>
      %sub3A_237 = arith.subi %div3A_210, %sub3A_236 : vector<16xi32>
      %select_n3A_238 = arith.select %and3A_234, %sub3A_237, %div3A_210 : vector<16xi1>, vector<16xi32>
      %jit3A_239 = arith.constant 128 : i32
      %eq3A_240 = arith.constant 0 : i32
      %eq3A_241 = arith.cmpi eq, %jit3A_239, %eq3A_240 : i32
      %jit3A_242 = arith.constant 1 : i32
      %select_n3A_243 = arith.select %eq3A_241, %jit3A_242, %jit3A_239 : i32
      %rem3A_244 = vector.broadcast %select_n3A_243 : i32 to vector<16xi32>
      %rem3A_245 = arith.remsi %add3A_35, %rem3A_244 : vector<16xi32>
      %ne3A_246 = arith.constant 0 : i32
      %ne3A_247 = vector.broadcast %ne3A_246 : i32 to vector<16xi32>
      %ne3A_248 = arith.cmpi ne, %rem3A_245, %ne3A_247 : vector<16xi32>
      %lt3A_249 = arith.constant 0 : i32
      %lt3A_250 = vector.broadcast %lt3A_249 : i32 to vector<16xi32>
      %lt3A_251 = arith.cmpi slt, %rem3A_245, %lt3A_250 : vector<16xi32>
      %lt3A_252 = arith.constant 0 : i32
      %lt3A_253 = arith.cmpi slt, %select_n3A_243, %lt3A_252 : i32
      %ne3A_254 = vector.broadcast %lt3A_253 : i1 to vector<16xi1>
      %ne3A_255 = vector.broadcast %ne3A_254 : vector<16xi1> to vector<16xi1>
      %ne3A_256 = arith.xori %lt3A_251, %ne3A_255 : vector<16xi1>
      %and3A_257 = arith.andi %ne3A_256, %ne3A_248 : vector<16xi1>
      %add3A_258 = vector.broadcast %select_n3A_243 : i32 to vector<16xi32>
      %add3A_259 = arith.addi %rem3A_245, %add3A_258 : vector<16xi32>
      %select_n3A_260 = arith.select %and3A_257, %add3A_259, %rem3A_245 : vector<16xi1>, vector<16xi32>
      tpu.vector_store_idx %arg9[%select_n3A_238, %select_n3A_260], %select_n3A_207 : memref<20x128xi32, #tpu.memory_space<vmem>>[vector<16xi32>, vector<16xi32>], vector<16xi32>,
      %scan3A_261 = arith.constant 0 : i32
      scf.yield %scan3A_261 : i32
    }
    %scan3A_22 = arith.constant 160 : i32
    %scan3A_23 = arith.constant 0 : i32
    %scan3A_24 = arith.constant 0 : i32
    %scan3A_25 = arith.constant 20 : i32
    %scan3A_26 = arith.addi %scan3A_24, %scan3A_25 : i32
    %scan3A_27 = arith.constant 1 : i32
    %scan3A_28 = scf.for %scan3A_30 = %scan3A_24 to %scan3A_26 step %scan3A_27 iter_args(%scan3A_31 = %scan3A_23) -> (i32)  : i32 {
      %mul3A_32 = arith.constant 128 : i32
      %mul3A_33 = arith.muli %scan3A_30, %mul3A_32 : i32
      "tpu.region"() ({
        %run_scoped3A = tpu.sem_alloc : memref<!tpu.dma_semaphore, #tpu.memory_space<semaphore_mem>>
        %dma_start3A_45 = arith.constant 0 : i32
        %dma_start3A_46 = tpu.memref_slice %arg2[%add3A, %mul3A_33, %dma_start3A_45] : memref<32x2560x64xf32, #tpu.memory_space<hbm>> -> memref<1x128x64xf32, #tpu.memory_space<hbm>>
        %dma_start3A_47 = tpu.memref_squeeze %dma_start3A_46 : memref<1x128x64xf32, #tpu.memory_space<hbm>> -> memref<128x64xf32, #tpu.memory_space<hbm>>
        %dma_start3A_48 = arith.constant 0 : i32
        %dma_start3A_49 = tpu.memref_slice %arg2[%add3A, %mul3A_33, %dma_start3A_48] : memref<32x2560x64xf32, #tpu.memory_space<hbm>> -> memref<1x128x64xf32, #tpu.memory_space<hbm>>
        %dma_start3A_50 = tpu.memref_squeeze %dma_start3A_49 : memref<1x128x64xf32, #tpu.memory_space<hbm>> -> memref<128x64xf32, #tpu.memory_space<hbm>>
        tpu.enqueue_dma source(%dma_start3A_50 : memref<128x64xf32, #tpu.memory_space<hbm>>) target(%arg10 : memref<128x64xf32, #tpu.memory_space<vmem>>) target_semaphore(%run_scoped3A : memref<!tpu.dma_semaphore, #tpu.memory_space<semaphore_mem>>)
        %dma_wait3A_51 = arith.constant 0 : i32
        %dma_wait3A_52 = tpu.memref_slice %arg2[%add3A, %mul3A_33, %dma_wait3A_51] : memref<32x2560x64xf32, #tpu.memory_space<hbm>> -> memref<1x128x64xf32, #tpu.memory_space<hbm>>
        %dma_wait3A_53 = tpu.memref_squeeze %dma_wait3A_52 : memref<1x128x64xf32, #tpu.memory_space<hbm>> -> memref<128x64xf32, #tpu.memory_space<hbm>>
        %dma_wait3A_54 = arith.constant 0 : i32
        %dma_wait3A_55 = tpu.memref_slice %arg2[%add3A, %mul3A_33, %dma_wait3A_54] : memref<32x2560x64xf32, #tpu.memory_space<hbm>> -> memref<1x128x64xf32, #tpu.memory_space<hbm>>
        %dma_wait3A_56 = tpu.memref_squeeze %dma_wait3A_55 : memref<1x128x64xf32, #tpu.memory_space<hbm>> -> memref<128x64xf32, #tpu.memory_space<hbm>>
        tpu.wait_dma2 semaphore(%run_scoped3A : memref<!tpu.dma_semaphore, #tpu.memory_space<semaphore_mem>>) src(%dma_wait3A_56 : memref<128x64xf32, #tpu.memory_space<hbm>>) dst(%arg10 : memref<128x64xf32, #tpu.memory_space<vmem>>)
        tpu.yield
      }) : () -> ()
      %dma_start3A = arith.constant 0 : i32
      %dma_start3A_34 = tpu.memref_slice %arg9[%scan3A_30, %dma_start3A] : memref<20x128xi32, #tpu.memory_space<vmem>> -> memref<1x128xi32, #tpu.memory_space<vmem>>
      %dma_start3A_35 = tpu.memref_squeeze %dma_start3A_34 : memref<1x128xi32, #tpu.memory_space<vmem>> -> memref<128xi32, #tpu.memory_space<vmem>>
      %dma_start3A_36 = arith.constant 0 : i32
      %dma_start3A_37 = arith.constant 0 : i32
      %dma_start3A_38 = tpu.memref_slice %arg5[%dma_start3A_36, %dma_start3A_37] : memref<892928x64xf32, #tpu.memory_space<hbm>> -> memref<892928x64xf32, #tpu.memory_space<hbm>>
      tpu.enqueue_indirect_dma source(%arg10 : memref<128x64xf32, #tpu.memory_space<vmem>>) target(%dma_start3A_38 : memref<892928x64xf32, #tpu.memory_space<hbm>>) offsets(%dma_start3A_35 : memref<128xi32, #tpu.memory_space<vmem>>) semaphore(%arg11 : memref<!tpu.dma_semaphore, #tpu.memory_space<semaphore_mem>>)
      %dma_wait3A = arith.constant 0 : i32
      %dma_wait3A_39 = tpu.memref_slice %arg9[%scan3A_30, %dma_wait3A] : memref<20x128xi32, #tpu.memory_space<vmem>> -> memref<1x128xi32, #tpu.memory_space<vmem>>
      %dma_wait3A_40 = tpu.memref_squeeze %dma_wait3A_39 : memref<1x128xi32, #tpu.memory_space<vmem>> -> memref<128xi32, #tpu.memory_space<vmem>>
      %dma_wait3A_41 = arith.constant 0 : i32
      %dma_wait3A_42 = arith.constant 0 : i32
      %dma_wait3A_43 = tpu.memref_slice %arg5[%dma_wait3A_41, %dma_wait3A_42] : memref<892928x64xf32, #tpu.memory_space<hbm>> -> memref<892928x64xf32, #tpu.memory_space<hbm>>
      tpu.wait_indirect_dma semaphore(%arg11 : memref<!tpu.dma_semaphore, #tpu.memory_space<semaphore_mem>>) src(%arg10 : memref<128x64xf32, #tpu.memory_space<vmem>>) dst(%dma_wait3A_43 : memref<892928x64xf32, #tpu.memory_space<hbm>>)
      %scan3A_44 = arith.constant 0 : i32
      scf.yield %scan3A_44 : i32
    }
    %scan3A_29 = arith.constant 20 : i32
    return
  }
}

module attributes {stable_mosaic.version = 14 : i64} {
  func.func @_tc_body(%arg0: i32, %arg1: i32, %arg2: memref<4096x128xf32, #tpu.memory_space<vmem>>, %arg3: memref<1x1x7936xi32, #tpu.memory_space<vmem>>, %arg4: memref<1x64x16x496xf32, #tpu.memory_space<vmem>>) attributes {dimension_semantics = [#tpu.dimension_semantics<parallel>, #tpu.dimension_semantics<parallel>], iteration_bounds = array<i64: 4, 27>, scalar_prefetch = 0 : i64, scratch_operands = 0 : i64, tpu.core_type = #tpu.core_type<tc>, window_params = [{transform_indices = @transform_0, window_bounds = array<i64: 4096, 128>}, {transform_indices = @transform_1, window_bounds = array<i64: 1, 1, 7936>}, {transform_indices = @transform_2, window_bounds = array<i64: 1, 64, 16, 496>}]} {
    %get3A = arith.constant 0 : index
    %get3A_0 = arith.constant 0 : index
    %get3A_1 = arith.constant 0 : index
    %get3A_2 = vector.load %arg3[%get3A, %get3A_0, %get3A_1] : memref<1x1x7936xi32, #tpu.memory_space<vmem>>, vector<1x1x7936xi32>
    %get3A_3 = vector.shape_cast %get3A_2 : vector<1x1x7936xi32> to vector<7936xi32>
    %slice3A = vector.extract_strided_slice %get3A_3 {offsets = [0], sizes = [496], strides = [1]} : vector<7936xi32> to vector<496xi32>
    %get3A_4 = arith.constant 0 : index
    %get3A_5 = arith.constant 0 : index
    %get3A_6 = vector.load %arg2[%get3A_4, %get3A_5] : memref<4096x128xf32, #tpu.memory_space<vmem>>, vector<256x128xf32>
    %transpose3A = tpu.transpose %get3A_6, [1, 0] : vector<256x128xf32> -> vector<128x256xf32>
    %slice3A_7 = vector.extract_strided_slice %slice3A {offsets = [0], sizes = [256], strides = [1]} : vector<496xi32> to vector<256xi32>
    %ge3A = arith.constant 0 : i32
    %ge3A_8 = vector.broadcast %ge3A : i32 to vector<256xi32>
    %ge3A_9 = arith.cmpi sge, %slice3A_7, %ge3A_8 : vector<256xi32>
    %broadcast_in_dim3A = vector.shape_cast %ge3A_9 : vector<256xi1> to vector<1x256xi1>
    %slice3A_10 = vector.extract_strided_slice %transpose3A {offsets = [0, 0], sizes = [64, 256], strides = [1, 1]} : vector<128x256xf32> to vector<64x256xf32>
    %jit3A = arith.constant 0.000000e+00 : f32
    %broadcast_in_dim3A_11 = vector.shape_cast %broadcast_in_dim3A : vector<1x256xi1> to vector<1x256xi1>
    %broadcast_in_dim3A_12 = vector.broadcast %broadcast_in_dim3A_11 : vector<1x256xi1> to vector<64x256xi1>
    %broadcast_in_dim3A_13 = vector.broadcast %jit3A : f32 to vector<64x256xf32>
    %select_n3A = arith.select %broadcast_in_dim3A_12, %slice3A_10, %broadcast_in_dim3A_13 : vector<64x256xi1>, vector<64x256xf32>
    %swap3A = arith.constant 0 : index
    %swap3A_14 = arith.constant 0 : index
    %swap3A_15 = arith.constant 0 : index
    %swap3A_16 = arith.constant 0 : index
    %swap3A_17 = vector.load %arg4[%swap3A, %swap3A_14, %swap3A_15, %swap3A_16] : memref<1x64x16x496xf32, #tpu.memory_space<vmem>>, vector<1x64x1x256xf32>
    %swap3A_18 = vector.shape_cast %swap3A_17 : vector<1x64x1x256xf32> to vector<64x256xf32>
    %swap3A_19 = vector.shape_cast %select_n3A : vector<64x256xf32> to vector<1x64x1x256xf32>
    tpu.vector_store %arg4[%swap3A, %swap3A_14, %swap3A_15, %swap3A_16], %swap3A_19 {strides = array<i32>} : memref<1x64x16x496xf32, #tpu.memory_space<vmem>>, vector<1x64x1x256xf32>,
    %slice3A_20 = vector.extract_strided_slice %slice3A {offsets = [256], sizes = [240], strides = [1]} : vector<496xi32> to vector<240xi32>
    %ge3A_21 = arith.constant 0 : i32
    %ge3A_22 = vector.broadcast %ge3A_21 : i32 to vector<240xi32>
    %ge3A_23 = arith.cmpi sge, %slice3A_20, %ge3A_22 : vector<240xi32>
    %broadcast_in_dim3A_24 = vector.shape_cast %ge3A_23 : vector<240xi1> to vector<1x240xi1>
    %slice3A_25 = vector.extract_strided_slice %transpose3A {offsets = [64, 0], sizes = [64, 240], strides = [1, 1]} : vector<128x256xf32> to vector<64x240xf32>
    %jit3A_26 = arith.constant 0.000000e+00 : f32
    %broadcast_in_dim3A_27 = vector.shape_cast %broadcast_in_dim3A_24 : vector<1x240xi1> to vector<1x240xi1>
    %broadcast_in_dim3A_28 = vector.broadcast %broadcast_in_dim3A_27 : vector<1x240xi1> to vector<64x240xi1>
    %broadcast_in_dim3A_29 = vector.broadcast %jit3A_26 : f32 to vector<64x240xf32>
    %select_n3A_30 = arith.select %broadcast_in_dim3A_28, %slice3A_25, %broadcast_in_dim3A_29 : vector<64x240xi1>, vector<64x240xf32>
    %swap3A_31 = arith.constant 0 : index
    %swap3A_32 = arith.constant 0 : index
    %swap3A_33 = arith.constant 0 : index
    %swap3A_34 = arith.constant 256 : index
    %swap3A_35 = vector.load %arg4[%swap3A_31, %swap3A_32, %swap3A_33, %swap3A_34] : memref<1x64x16x496xf32, #tpu.memory_space<vmem>>, vector<1x64x1x240xf32>
    %swap3A_36 = vector.shape_cast %swap3A_35 : vector<1x64x1x240xf32> to vector<64x240xf32>
    %swap3A_37 = vector.shape_cast %select_n3A_30 : vector<64x240xf32> to vector<1x64x1x240xf32>
    tpu.vector_store %arg4[%swap3A_31, %swap3A_32, %swap3A_33, %swap3A_34], %swap3A_37 {strides = array<i32>} : memref<1x64x16x496xf32, #tpu.memory_space<vmem>>, vector<1x64x1x240xf32>,
    %slice3A_38 = vector.extract_strided_slice %get3A_3 {offsets = [496], sizes = [496], strides = [1]} : vector<7936xi32> to vector<496xi32>
    %get3A_39 = arith.constant 256 : index
    %get3A_40 = arith.constant 0 : index
    %get3A_41 = vector.load %arg2[%get3A_39, %get3A_40] : memref<4096x128xf32, #tpu.memory_space<vmem>>, vector<256x128xf32>
    %transpose3A_42 = tpu.transpose %get3A_41, [1, 0] : vector<256x128xf32> -> vector<128x256xf32>
    %slice3A_43 = vector.extract_strided_slice %slice3A_38 {offsets = [0], sizes = [256], strides = [1]} : vector<496xi32> to vector<256xi32>
    %ge3A_44 = arith.constant 0 : i32
    %ge3A_45 = vector.broadcast %ge3A_44 : i32 to vector<256xi32>
    %ge3A_46 = arith.cmpi sge, %slice3A_43, %ge3A_45 : vector<256xi32>
    %broadcast_in_dim3A_47 = vector.shape_cast %ge3A_46 : vector<256xi1> to vector<1x256xi1>
    %slice3A_48 = vector.extract_strided_slice %transpose3A_42 {offsets = [0, 0], sizes = [64, 256], strides = [1, 1]} : vector<128x256xf32> to vector<64x256xf32>
    %jit3A_49 = arith.constant 0.000000e+00 : f32
    %broadcast_in_dim3A_50 = vector.shape_cast %broadcast_in_dim3A_47 : vector<1x256xi1> to vector<1x256xi1>
    %broadcast_in_dim3A_51 = vector.broadcast %broadcast_in_dim3A_50 : vector<1x256xi1> to vector<64x256xi1>
    %broadcast_in_dim3A_52 = vector.broadcast %jit3A_49 : f32 to vector<64x256xf32>
    %select_n3A_53 = arith.select %broadcast_in_dim3A_51, %slice3A_48, %broadcast_in_dim3A_52 : vector<64x256xi1>, vector<64x256xf32>
    %swap3A_54 = arith.constant 0 : index
    %swap3A_55 = arith.constant 0 : index
    %swap3A_56 = arith.constant 1 : index
    %swap3A_57 = arith.constant 0 : index
    %swap3A_58 = vector.load %arg4[%swap3A_54, %swap3A_55, %swap3A_56, %swap3A_57] : memref<1x64x16x496xf32, #tpu.memory_space<vmem>>, vector<1x64x1x256xf32>
    %swap3A_59 = vector.shape_cast %swap3A_58 : vector<1x64x1x256xf32> to vector<64x256xf32>
    %swap3A_60 = vector.shape_cast %select_n3A_53 : vector<64x256xf32> to vector<1x64x1x256xf32>
    tpu.vector_store %arg4[%swap3A_54, %swap3A_55, %swap3A_56, %swap3A_57], %swap3A_60 {strides = array<i32>} : memref<1x64x16x496xf32, #tpu.memory_space<vmem>>, vector<1x64x1x256xf32>,
    %slice3A_61 = vector.extract_strided_slice %slice3A_38 {offsets = [256], sizes = [240], strides = [1]} : vector<496xi32> to vector<240xi32>
    %ge3A_62 = arith.constant 0 : i32
    %ge3A_63 = vector.broadcast %ge3A_62 : i32 to vector<240xi32>
    %ge3A_64 = arith.cmpi sge, %slice3A_61, %ge3A_63 : vector<240xi32>
    %broadcast_in_dim3A_65 = vector.shape_cast %ge3A_64 : vector<240xi1> to vector<1x240xi1>
    %slice3A_66 = vector.extract_strided_slice %transpose3A_42 {offsets = [64, 0], sizes = [64, 240], strides = [1, 1]} : vector<128x256xf32> to vector<64x240xf32>
    %jit3A_67 = arith.constant 0.000000e+00 : f32
    %broadcast_in_dim3A_68 = vector.shape_cast %broadcast_in_dim3A_65 : vector<1x240xi1> to vector<1x240xi1>
    %broadcast_in_dim3A_69 = vector.broadcast %broadcast_in_dim3A_68 : vector<1x240xi1> to vector<64x240xi1>
    %broadcast_in_dim3A_70 = vector.broadcast %jit3A_67 : f32 to vector<64x240xf32>
    %select_n3A_71 = arith.select %broadcast_in_dim3A_69, %slice3A_66, %broadcast_in_dim3A_70 : vector<64x240xi1>, vector<64x240xf32>
    %swap3A_72 = arith.constant 0 : index
    %swap3A_73 = arith.constant 0 : index
    %swap3A_74 = arith.constant 1 : index
    %swap3A_75 = arith.constant 256 : index
    %swap3A_76 = vector.load %arg4[%swap3A_72, %swap3A_73, %swap3A_74, %swap3A_75] : memref<1x64x16x496xf32, #tpu.memory_space<vmem>>, vector<1x64x1x240xf32>
    %swap3A_77 = vector.shape_cast %swap3A_76 : vector<1x64x1x240xf32> to vector<64x240xf32>
    %swap3A_78 = vector.shape_cast %select_n3A_71 : vector<64x240xf32> to vector<1x64x1x240xf32>
    tpu.vector_store %arg4[%swap3A_72, %swap3A_73, %swap3A_74, %swap3A_75], %swap3A_78 {strides = array<i32>} : memref<1x64x16x496xf32, #tpu.memory_space<vmem>>, vector<1x64x1x240xf32>,
    %slice3A_79 = vector.extract_strided_slice %get3A_3 {offsets = [992], sizes = [496], strides = [1]} : vector<7936xi32> to vector<496xi32>
    %get3A_80 = arith.constant 512 : index
    %get3A_81 = arith.constant 0 : index
    %get3A_82 = vector.load %arg2[%get3A_80, %get3A_81] : memref<4096x128xf32, #tpu.memory_space<vmem>>, vector<256x128xf32>
    %transpose3A_83 = tpu.transpose %get3A_82, [1, 0] : vector<256x128xf32> -> vector<128x256xf32>
    %slice3A_84 = vector.extract_strided_slice %slice3A_79 {offsets = [0], sizes = [256], strides = [1]} : vector<496xi32> to vector<256xi32>
    %ge3A_85 = arith.constant 0 : i32
    %ge3A_86 = vector.broadcast %ge3A_85 : i32 to vector<256xi32>
    %ge3A_87 = arith.cmpi sge, %slice3A_84, %ge3A_86 : vector<256xi32>
    %broadcast_in_dim3A_88 = vector.shape_cast %ge3A_87 : vector<256xi1> to vector<1x256xi1>
    %slice3A_89 = vector.extract_strided_slice %transpose3A_83 {offsets = [0, 0], sizes = [64, 256], strides = [1, 1]} : vector<128x256xf32> to vector<64x256xf32>
    %jit3A_90 = arith.constant 0.000000e+00 : f32
    %broadcast_in_dim3A_91 = vector.shape_cast %broadcast_in_dim3A_88 : vector<1x256xi1> to vector<1x256xi1>
    %broadcast_in_dim3A_92 = vector.broadcast %broadcast_in_dim3A_91 : vector<1x256xi1> to vector<64x256xi1>
    %broadcast_in_dim3A_93 = vector.broadcast %jit3A_90 : f32 to vector<64x256xf32>
    %select_n3A_94 = arith.select %broadcast_in_dim3A_92, %slice3A_89, %broadcast_in_dim3A_93 : vector<64x256xi1>, vector<64x256xf32>
    %swap3A_95 = arith.constant 0 : index
    %swap3A_96 = arith.constant 0 : index
    %swap3A_97 = arith.constant 2 : index
    %swap3A_98 = arith.constant 0 : index
    %swap3A_99 = vector.load %arg4[%swap3A_95, %swap3A_96, %swap3A_97, %swap3A_98] : memref<1x64x16x496xf32, #tpu.memory_space<vmem>>, vector<1x64x1x256xf32>
    %swap3A_100 = vector.shape_cast %swap3A_99 : vector<1x64x1x256xf32> to vector<64x256xf32>
    %swap3A_101 = vector.shape_cast %select_n3A_94 : vector<64x256xf32> to vector<1x64x1x256xf32>
    tpu.vector_store %arg4[%swap3A_95, %swap3A_96, %swap3A_97, %swap3A_98], %swap3A_101 {strides = array<i32>} : memref<1x64x16x496xf32, #tpu.memory_space<vmem>>, vector<1x64x1x256xf32>,
    %slice3A_102 = vector.extract_strided_slice %slice3A_79 {offsets = [256], sizes = [240], strides = [1]} : vector<496xi32> to vector<240xi32>
    %ge3A_103 = arith.constant 0 : i32
    %ge3A_104 = vector.broadcast %ge3A_103 : i32 to vector<240xi32>
    %ge3A_105 = arith.cmpi sge, %slice3A_102, %ge3A_104 : vector<240xi32>
    %broadcast_in_dim3A_106 = vector.shape_cast %ge3A_105 : vector<240xi1> to vector<1x240xi1>
    %slice3A_107 = vector.extract_strided_slice %transpose3A_83 {offsets = [64, 0], sizes = [64, 240], strides = [1, 1]} : vector<128x256xf32> to vector<64x240xf32>
    %jit3A_108 = arith.constant 0.000000e+00 : f32
    %broadcast_in_dim3A_109 = vector.shape_cast %broadcast_in_dim3A_106 : vector<1x240xi1> to vector<1x240xi1>
    %broadcast_in_dim3A_110 = vector.broadcast %broadcast_in_dim3A_109 : vector<1x240xi1> to vector<64x240xi1>
    %broadcast_in_dim3A_111 = vector.broadcast %jit3A_108 : f32 to vector<64x240xf32>
    %select_n3A_112 = arith.select %broadcast_in_dim3A_110, %slice3A_107, %broadcast_in_dim3A_111 : vector<64x240xi1>, vector<64x240xf32>
    %swap3A_113 = arith.constant 0 : index
    %swap3A_114 = arith.constant 0 : index
    %swap3A_115 = arith.constant 2 : index
    %swap3A_116 = arith.constant 256 : index
    %swap3A_117 = vector.load %arg4[%swap3A_113, %swap3A_114, %swap3A_115, %swap3A_116] : memref<1x64x16x496xf32, #tpu.memory_space<vmem>>, vector<1x64x1x240xf32>
    %swap3A_118 = vector.shape_cast %swap3A_117 : vector<1x64x1x240xf32> to vector<64x240xf32>
    %swap3A_119 = vector.shape_cast %select_n3A_112 : vector<64x240xf32> to vector<1x64x1x240xf32>
    tpu.vector_store %arg4[%swap3A_113, %swap3A_114, %swap3A_115, %swap3A_116], %swap3A_119 {strides = array<i32>} : memref<1x64x16x496xf32, #tpu.memory_space<vmem>>, vector<1x64x1x240xf32>,
    %slice3A_120 = vector.extract_strided_slice %get3A_3 {offsets = [1488], sizes = [496], strides = [1]} : vector<7936xi32> to vector<496xi32>
    %get3A_121 = arith.constant 768 : index
    %get3A_122 = arith.constant 0 : index
    %get3A_123 = vector.load %arg2[%get3A_121, %get3A_122] : memref<4096x128xf32, #tpu.memory_space<vmem>>, vector<256x128xf32>
    %transpose3A_124 = tpu.transpose %get3A_123, [1, 0] : vector<256x128xf32> -> vector<128x256xf32>
    %slice3A_125 = vector.extract_strided_slice %slice3A_120 {offsets = [0], sizes = [256], strides = [1]} : vector<496xi32> to vector<256xi32>
    %ge3A_126 = arith.constant 0 : i32
    %ge3A_127 = vector.broadcast %ge3A_126 : i32 to vector<256xi32>
    %ge3A_128 = arith.cmpi sge, %slice3A_125, %ge3A_127 : vector<256xi32>
    %broadcast_in_dim3A_129 = vector.shape_cast %ge3A_128 : vector<256xi1> to vector<1x256xi1>
    %slice3A_130 = vector.extract_strided_slice %transpose3A_124 {offsets = [0, 0], sizes = [64, 256], strides = [1, 1]} : vector<128x256xf32> to vector<64x256xf32>
    %jit3A_131 = arith.constant 0.000000e+00 : f32
    %broadcast_in_dim3A_132 = vector.shape_cast %broadcast_in_dim3A_129 : vector<1x256xi1> to vector<1x256xi1>
    %broadcast_in_dim3A_133 = vector.broadcast %broadcast_in_dim3A_132 : vector<1x256xi1> to vector<64x256xi1>
    %broadcast_in_dim3A_134 = vector.broadcast %jit3A_131 : f32 to vector<64x256xf32>
    %select_n3A_135 = arith.select %broadcast_in_dim3A_133, %slice3A_130, %broadcast_in_dim3A_134 : vector<64x256xi1>, vector<64x256xf32>
    %swap3A_136 = arith.constant 0 : index
    %swap3A_137 = arith.constant 0 : index
    %swap3A_138 = arith.constant 3 : index
    %swap3A_139 = arith.constant 0 : index
    %swap3A_140 = vector.load %arg4[%swap3A_136, %swap3A_137, %swap3A_138, %swap3A_139] : memref<1x64x16x496xf32, #tpu.memory_space<vmem>>, vector<1x64x1x256xf32>
    %swap3A_141 = vector.shape_cast %swap3A_140 : vector<1x64x1x256xf32> to vector<64x256xf32>
    %swap3A_142 = vector.shape_cast %select_n3A_135 : vector<64x256xf32> to vector<1x64x1x256xf32>
    tpu.vector_store %arg4[%swap3A_136, %swap3A_137, %swap3A_138, %swap3A_139], %swap3A_142 {strides = array<i32>} : memref<1x64x16x496xf32, #tpu.memory_space<vmem>>, vector<1x64x1x256xf32>,
    %slice3A_143 = vector.extract_strided_slice %slice3A_120 {offsets = [256], sizes = [240], strides = [1]} : vector<496xi32> to vector<240xi32>
    %ge3A_144 = arith.constant 0 : i32
    %ge3A_145 = vector.broadcast %ge3A_144 : i32 to vector<240xi32>
    %ge3A_146 = arith.cmpi sge, %slice3A_143, %ge3A_145 : vector<240xi32>
    %broadcast_in_dim3A_147 = vector.shape_cast %ge3A_146 : vector<240xi1> to vector<1x240xi1>
    %slice3A_148 = vector.extract_strided_slice %transpose3A_124 {offsets = [64, 0], sizes = [64, 240], strides = [1, 1]} : vector<128x256xf32> to vector<64x240xf32>
    %jit3A_149 = arith.constant 0.000000e+00 : f32
    %broadcast_in_dim3A_150 = vector.shape_cast %broadcast_in_dim3A_147 : vector<1x240xi1> to vector<1x240xi1>
    %broadcast_in_dim3A_151 = vector.broadcast %broadcast_in_dim3A_150 : vector<1x240xi1> to vector<64x240xi1>
    %broadcast_in_dim3A_152 = vector.broadcast %jit3A_149 : f32 to vector<64x240xf32>
    %select_n3A_153 = arith.select %broadcast_in_dim3A_151, %slice3A_148, %broadcast_in_dim3A_152 : vector<64x240xi1>, vector<64x240xf32>
    %swap3A_154 = arith.constant 0 : index
    %swap3A_155 = arith.constant 0 : index
    %swap3A_156 = arith.constant 3 : index
    %swap3A_157 = arith.constant 256 : index
    %swap3A_158 = vector.load %arg4[%swap3A_154, %swap3A_155, %swap3A_156, %swap3A_157] : memref<1x64x16x496xf32, #tpu.memory_space<vmem>>, vector<1x64x1x240xf32>
    %swap3A_159 = vector.shape_cast %swap3A_158 : vector<1x64x1x240xf32> to vector<64x240xf32>
    %swap3A_160 = vector.shape_cast %select_n3A_153 : vector<64x240xf32> to vector<1x64x1x240xf32>
    tpu.vector_store %arg4[%swap3A_154, %swap3A_155, %swap3A_156, %swap3A_157], %swap3A_160 {strides = array<i32>} : memref<1x64x16x496xf32, #tpu.memory_space<vmem>>, vector<1x64x1x240xf32>,
    %slice3A_161 = vector.extract_strided_slice %get3A_3 {offsets = [1984], sizes = [496], strides = [1]} : vector<7936xi32> to vector<496xi32>
    %get3A_162 = arith.constant 1024 : index
    %get3A_163 = arith.constant 0 : index
    %get3A_164 = vector.load %arg2[%get3A_162, %get3A_163] : memref<4096x128xf32, #tpu.memory_space<vmem>>, vector<256x128xf32>
    %transpose3A_165 = tpu.transpose %get3A_164, [1, 0] : vector<256x128xf32> -> vector<128x256xf32>
    %slice3A_166 = vector.extract_strided_slice %slice3A_161 {offsets = [0], sizes = [256], strides = [1]} : vector<496xi32> to vector<256xi32>
    %ge3A_167 = arith.constant 0 : i32
    %ge3A_168 = vector.broadcast %ge3A_167 : i32 to vector<256xi32>
    %ge3A_169 = arith.cmpi sge, %slice3A_166, %ge3A_168 : vector<256xi32>
    %broadcast_in_dim3A_170 = vector.shape_cast %ge3A_169 : vector<256xi1> to vector<1x256xi1>
    %slice3A_171 = vector.extract_strided_slice %transpose3A_165 {offsets = [0, 0], sizes = [64, 256], strides = [1, 1]} : vector<128x256xf32> to vector<64x256xf32>
    %jit3A_172 = arith.constant 0.000000e+00 : f32
    %broadcast_in_dim3A_173 = vector.shape_cast %broadcast_in_dim3A_170 : vector<1x256xi1> to vector<1x256xi1>
    %broadcast_in_dim3A_174 = vector.broadcast %broadcast_in_dim3A_173 : vector<1x256xi1> to vector<64x256xi1>
    %broadcast_in_dim3A_175 = vector.broadcast %jit3A_172 : f32 to vector<64x256xf32>
    %select_n3A_176 = arith.select %broadcast_in_dim3A_174, %slice3A_171, %broadcast_in_dim3A_175 : vector<64x256xi1>, vector<64x256xf32>
    %swap3A_177 = arith.constant 0 : index
    %swap3A_178 = arith.constant 0 : index
    %swap3A_179 = arith.constant 4 : index
    %swap3A_180 = arith.constant 0 : index
    %swap3A_181 = vector.load %arg4[%swap3A_177, %swap3A_178, %swap3A_179, %swap3A_180] : memref<1x64x16x496xf32, #tpu.memory_space<vmem>>, vector<1x64x1x256xf32>
    %swap3A_182 = vector.shape_cast %swap3A_181 : vector<1x64x1x256xf32> to vector<64x256xf32>
    %swap3A_183 = vector.shape_cast %select_n3A_176 : vector<64x256xf32> to vector<1x64x1x256xf32>
    tpu.vector_store %arg4[%swap3A_177, %swap3A_178, %swap3A_179, %swap3A_180], %swap3A_183 {strides = array<i32>} : memref<1x64x16x496xf32, #tpu.memory_space<vmem>>, vector<1x64x1x256xf32>,
    %slice3A_184 = vector.extract_strided_slice %slice3A_161 {offsets = [256], sizes = [240], strides = [1]} : vector<496xi32> to vector<240xi32>
    %ge3A_185 = arith.constant 0 : i32
    %ge3A_186 = vector.broadcast %ge3A_185 : i32 to vector<240xi32>
    %ge3A_187 = arith.cmpi sge, %slice3A_184, %ge3A_186 : vector<240xi32>
    %broadcast_in_dim3A_188 = vector.shape_cast %ge3A_187 : vector<240xi1> to vector<1x240xi1>
    %slice3A_189 = vector.extract_strided_slice %transpose3A_165 {offsets = [64, 0], sizes = [64, 240], strides = [1, 1]} : vector<128x256xf32> to vector<64x240xf32>
    %jit3A_190 = arith.constant 0.000000e+00 : f32
    %broadcast_in_dim3A_191 = vector.shape_cast %broadcast_in_dim3A_188 : vector<1x240xi1> to vector<1x240xi1>
    %broadcast_in_dim3A_192 = vector.broadcast %broadcast_in_dim3A_191 : vector<1x240xi1> to vector<64x240xi1>
    %broadcast_in_dim3A_193 = vector.broadcast %jit3A_190 : f32 to vector<64x240xf32>
    %select_n3A_194 = arith.select %broadcast_in_dim3A_192, %slice3A_189, %broadcast_in_dim3A_193 : vector<64x240xi1>, vector<64x240xf32>
    %swap3A_195 = arith.constant 0 : index
    %swap3A_196 = arith.constant 0 : index
    %swap3A_197 = arith.constant 4 : index
    %swap3A_198 = arith.constant 256 : index
    %swap3A_199 = vector.load %arg4[%swap3A_195, %swap3A_196, %swap3A_197, %swap3A_198] : memref<1x64x16x496xf32, #tpu.memory_space<vmem>>, vector<1x64x1x240xf32>
    %swap3A_200 = vector.shape_cast %swap3A_199 : vector<1x64x1x240xf32> to vector<64x240xf32>
    %swap3A_201 = vector.shape_cast %select_n3A_194 : vector<64x240xf32> to vector<1x64x1x240xf32>
    tpu.vector_store %arg4[%swap3A_195, %swap3A_196, %swap3A_197, %swap3A_198], %swap3A_201 {strides = array<i32>} : memref<1x64x16x496xf32, #tpu.memory_space<vmem>>, vector<1x64x1x240xf32>,
    %slice3A_202 = vector.extract_strided_slice %get3A_3 {offsets = [2480], sizes = [496], strides = [1]} : vector<7936xi32> to vector<496xi32>
    %get3A_203 = arith.constant 1280 : index
    %get3A_204 = arith.constant 0 : index
    %get3A_205 = vector.load %arg2[%get3A_203, %get3A_204] : memref<4096x128xf32, #tpu.memory_space<vmem>>, vector<256x128xf32>
    %transpose3A_206 = tpu.transpose %get3A_205, [1, 0] : vector<256x128xf32> -> vector<128x256xf32>
    %slice3A_207 = vector.extract_strided_slice %slice3A_202 {offsets = [0], sizes = [256], strides = [1]} : vector<496xi32> to vector<256xi32>
    %ge3A_208 = arith.constant 0 : i32
    %ge3A_209 = vector.broadcast %ge3A_208 : i32 to vector<256xi32>
    %ge3A_210 = arith.cmpi sge, %slice3A_207, %ge3A_209 : vector<256xi32>
    %broadcast_in_dim3A_211 = vector.shape_cast %ge3A_210 : vector<256xi1> to vector<1x256xi1>
    %slice3A_212 = vector.extract_strided_slice %transpose3A_206 {offsets = [0, 0], sizes = [64, 256], strides = [1, 1]} : vector<128x256xf32> to vector<64x256xf32>
    %jit3A_213 = arith.constant 0.000000e+00 : f32
    %broadcast_in_dim3A_214 = vector.shape_cast %broadcast_in_dim3A_211 : vector<1x256xi1> to vector<1x256xi1>
    %broadcast_in_dim3A_215 = vector.broadcast %broadcast_in_dim3A_214 : vector<1x256xi1> to vector<64x256xi1>
    %broadcast_in_dim3A_216 = vector.broadcast %jit3A_213 : f32 to vector<64x256xf32>
    %select_n3A_217 = arith.select %broadcast_in_dim3A_215, %slice3A_212, %broadcast_in_dim3A_216 : vector<64x256xi1>, vector<64x256xf32>
    %swap3A_218 = arith.constant 0 : index
    %swap3A_219 = arith.constant 0 : index
    %swap3A_220 = arith.constant 5 : index
    %swap3A_221 = arith.constant 0 : index
    %swap3A_222 = vector.load %arg4[%swap3A_218, %swap3A_219, %swap3A_220, %swap3A_221] : memref<1x64x16x496xf32, #tpu.memory_space<vmem>>, vector<1x64x1x256xf32>
    %swap3A_223 = vector.shape_cast %swap3A_222 : vector<1x64x1x256xf32> to vector<64x256xf32>
    %swap3A_224 = vector.shape_cast %select_n3A_217 : vector<64x256xf32> to vector<1x64x1x256xf32>
    tpu.vector_store %arg4[%swap3A_218, %swap3A_219, %swap3A_220, %swap3A_221], %swap3A_224 {strides = array<i32>} : memref<1x64x16x496xf32, #tpu.memory_space<vmem>>, vector<1x64x1x256xf32>,
    %slice3A_225 = vector.extract_strided_slice %slice3A_202 {offsets = [256], sizes = [240], strides = [1]} : vector<496xi32> to vector<240xi32>
    %ge3A_226 = arith.constant 0 : i32
    %ge3A_227 = vector.broadcast %ge3A_226 : i32 to vector<240xi32>
    %ge3A_228 = arith.cmpi sge, %slice3A_225, %ge3A_227 : vector<240xi32>
    %broadcast_in_dim3A_229 = vector.shape_cast %ge3A_228 : vector<240xi1> to vector<1x240xi1>
    %slice3A_230 = vector.extract_strided_slice %transpose3A_206 {offsets = [64, 0], sizes = [64, 240], strides = [1, 1]} : vector<128x256xf32> to vector<64x240xf32>
    %jit3A_231 = arith.constant 0.000000e+00 : f32
    %broadcast_in_dim3A_232 = vector.shape_cast %broadcast_in_dim3A_229 : vector<1x240xi1> to vector<1x240xi1>
    %broadcast_in_dim3A_233 = vector.broadcast %broadcast_in_dim3A_232 : vector<1x240xi1> to vector<64x240xi1>
    %broadcast_in_dim3A_234 = vector.broadcast %jit3A_231 : f32 to vector<64x240xf32>
    %select_n3A_235 = arith.select %broadcast_in_dim3A_233, %slice3A_230, %broadcast_in_dim3A_234 : vector<64x240xi1>, vector<64x240xf32>
    %swap3A_236 = arith.constant 0 : index
    %swap3A_237 = arith.constant 0 : index
    %swap3A_238 = arith.constant 5 : index
    %swap3A_239 = arith.constant 256 : index
    %swap3A_240 = vector.load %arg4[%swap3A_236, %swap3A_237, %swap3A_238, %swap3A_239] : memref<1x64x16x496xf32, #tpu.memory_space<vmem>>, vector<1x64x1x240xf32>
    %swap3A_241 = vector.shape_cast %swap3A_240 : vector<1x64x1x240xf32> to vector<64x240xf32>
    %swap3A_242 = vector.shape_cast %select_n3A_235 : vector<64x240xf32> to vector<1x64x1x240xf32>
    tpu.vector_store %arg4[%swap3A_236, %swap3A_237, %swap3A_238, %swap3A_239], %swap3A_242 {strides = array<i32>} : memref<1x64x16x496xf32, #tpu.memory_space<vmem>>, vector<1x64x1x240xf32>,
    %slice3A_243 = vector.extract_strided_slice %get3A_3 {offsets = [2976], sizes = [496], strides = [1]} : vector<7936xi32> to vector<496xi32>
    %get3A_244 = arith.constant 1536 : index
    %get3A_245 = arith.constant 0 : index
    %get3A_246 = vector.load %arg2[%get3A_244, %get3A_245] : memref<4096x128xf32, #tpu.memory_space<vmem>>, vector<256x128xf32>
    %transpose3A_247 = tpu.transpose %get3A_246, [1, 0] : vector<256x128xf32> -> vector<128x256xf32>
    %slice3A_248 = vector.extract_strided_slice %slice3A_243 {offsets = [0], sizes = [256], strides = [1]} : vector<496xi32> to vector<256xi32>
    %ge3A_249 = arith.constant 0 : i32
    %ge3A_250 = vector.broadcast %ge3A_249 : i32 to vector<256xi32>
    %ge3A_251 = arith.cmpi sge, %slice3A_248, %ge3A_250 : vector<256xi32>
    %broadcast_in_dim3A_252 = vector.shape_cast %ge3A_251 : vector<256xi1> to vector<1x256xi1>
    %slice3A_253 = vector.extract_strided_slice %transpose3A_247 {offsets = [0, 0], sizes = [64, 256], strides = [1, 1]} : vector<128x256xf32> to vector<64x256xf32>
    %jit3A_254 = arith.constant 0.000000e+00 : f32
    %broadcast_in_dim3A_255 = vector.shape_cast %broadcast_in_dim3A_252 : vector<1x256xi1> to vector<1x256xi1>
    %broadcast_in_dim3A_256 = vector.broadcast %broadcast_in_dim3A_255 : vector<1x256xi1> to vector<64x256xi1>
    %broadcast_in_dim3A_257 = vector.broadcast %jit3A_254 : f32 to vector<64x256xf32>
    %select_n3A_258 = arith.select %broadcast_in_dim3A_256, %slice3A_253, %broadcast_in_dim3A_257 : vector<64x256xi1>, vector<64x256xf32>
    %swap3A_259 = arith.constant 0 : index
    %swap3A_260 = arith.constant 0 : index
    %swap3A_261 = arith.constant 6 : index
    %swap3A_262 = arith.constant 0 : index
    %swap3A_263 = vector.load %arg4[%swap3A_259, %swap3A_260, %swap3A_261, %swap3A_262] : memref<1x64x16x496xf32, #tpu.memory_space<vmem>>, vector<1x64x1x256xf32>
    %swap3A_264 = vector.shape_cast %swap3A_263 : vector<1x64x1x256xf32> to vector<64x256xf32>
    %swap3A_265 = vector.shape_cast %select_n3A_258 : vector<64x256xf32> to vector<1x64x1x256xf32>
    tpu.vector_store %arg4[%swap3A_259, %swap3A_260, %swap3A_261, %swap3A_262], %swap3A_265 {strides = array<i32>} : memref<1x64x16x496xf32, #tpu.memory_space<vmem>>, vector<1x64x1x256xf32>,
    %slice3A_266 = vector.extract_strided_slice %slice3A_243 {offsets = [256], sizes = [240], strides = [1]} : vector<496xi32> to vector<240xi32>
    %ge3A_267 = arith.constant 0 : i32
    %ge3A_268 = vector.broadcast %ge3A_267 : i32 to vector<240xi32>
    %ge3A_269 = arith.cmpi sge, %slice3A_266, %ge3A_268 : vector<240xi32>
    %broadcast_in_dim3A_270 = vector.shape_cast %ge3A_269 : vector<240xi1> to vector<1x240xi1>
    %slice3A_271 = vector.extract_strided_slice %transpose3A_247 {offsets = [64, 0], sizes = [64, 240], strides = [1, 1]} : vector<128x256xf32> to vector<64x240xf32>
    %jit3A_272 = arith.constant 0.000000e+00 : f32
    %broadcast_in_dim3A_273 = vector.shape_cast %broadcast_in_dim3A_270 : vector<1x240xi1> to vector<1x240xi1>
    %broadcast_in_dim3A_274 = vector.broadcast %broadcast_in_dim3A_273 : vector<1x240xi1> to vector<64x240xi1>
    %broadcast_in_dim3A_275 = vector.broadcast %jit3A_272 : f32 to vector<64x240xf32>
    %select_n3A_276 = arith.select %broadcast_in_dim3A_274, %slice3A_271, %broadcast_in_dim3A_275 : vector<64x240xi1>, vector<64x240xf32>
    %swap3A_277 = arith.constant 0 : index
    %swap3A_278 = arith.constant 0 : index
    %swap3A_279 = arith.constant 6 : index
    %swap3A_280 = arith.constant 256 : index
    %swap3A_281 = vector.load %arg4[%swap3A_277, %swap3A_278, %swap3A_279, %swap3A_280] : memref<1x64x16x496xf32, #tpu.memory_space<vmem>>, vector<1x64x1x240xf32>
    %swap3A_282 = vector.shape_cast %swap3A_281 : vector<1x64x1x240xf32> to vector<64x240xf32>
    %swap3A_283 = vector.shape_cast %select_n3A_276 : vector<64x240xf32> to vector<1x64x1x240xf32>
    tpu.vector_store %arg4[%swap3A_277, %swap3A_278, %swap3A_279, %swap3A_280], %swap3A_283 {strides = array<i32>} : memref<1x64x16x496xf32, #tpu.memory_space<vmem>>, vector<1x64x1x240xf32>,
    %slice3A_284 = vector.extract_strided_slice %get3A_3 {offsets = [3472], sizes = [496], strides = [1]} : vector<7936xi32> to vector<496xi32>
    %get3A_285 = arith.constant 1792 : index
    %get3A_286 = arith.constant 0 : index
    %get3A_287 = vector.load %arg2[%get3A_285, %get3A_286] : memref<4096x128xf32, #tpu.memory_space<vmem>>, vector<256x128xf32>
    %transpose3A_288 = tpu.transpose %get3A_287, [1, 0] : vector<256x128xf32> -> vector<128x256xf32>
    %slice3A_289 = vector.extract_strided_slice %slice3A_284 {offsets = [0], sizes = [256], strides = [1]} : vector<496xi32> to vector<256xi32>
    %ge3A_290 = arith.constant 0 : i32
    %ge3A_291 = vector.broadcast %ge3A_290 : i32 to vector<256xi32>
    %ge3A_292 = arith.cmpi sge, %slice3A_289, %ge3A_291 : vector<256xi32>
    %broadcast_in_dim3A_293 = vector.shape_cast %ge3A_292 : vector<256xi1> to vector<1x256xi1>
    %slice3A_294 = vector.extract_strided_slice %transpose3A_288 {offsets = [0, 0], sizes = [64, 256], strides = [1, 1]} : vector<128x256xf32> to vector<64x256xf32>
    %jit3A_295 = arith.constant 0.000000e+00 : f32
    %broadcast_in_dim3A_296 = vector.shape_cast %broadcast_in_dim3A_293 : vector<1x256xi1> to vector<1x256xi1>
    %broadcast_in_dim3A_297 = vector.broadcast %broadcast_in_dim3A_296 : vector<1x256xi1> to vector<64x256xi1>
    %broadcast_in_dim3A_298 = vector.broadcast %jit3A_295 : f32 to vector<64x256xf32>
    %select_n3A_299 = arith.select %broadcast_in_dim3A_297, %slice3A_294, %broadcast_in_dim3A_298 : vector<64x256xi1>, vector<64x256xf32>
    %swap3A_300 = arith.constant 0 : index
    %swap3A_301 = arith.constant 0 : index
    %swap3A_302 = arith.constant 7 : index
    %swap3A_303 = arith.constant 0 : index
    %swap3A_304 = vector.load %arg4[%swap3A_300, %swap3A_301, %swap3A_302, %swap3A_303] : memref<1x64x16x496xf32, #tpu.memory_space<vmem>>, vector<1x64x1x256xf32>
    %swap3A_305 = vector.shape_cast %swap3A_304 : vector<1x64x1x256xf32> to vector<64x256xf32>
    %swap3A_306 = vector.shape_cast %select_n3A_299 : vector<64x256xf32> to vector<1x64x1x256xf32>
    tpu.vector_store %arg4[%swap3A_300, %swap3A_301, %swap3A_302, %swap3A_303], %swap3A_306 {strides = array<i32>} : memref<1x64x16x496xf32, #tpu.memory_space<vmem>>, vector<1x64x1x256xf32>,
    %slice3A_307 = vector.extract_strided_slice %slice3A_284 {offsets = [256], sizes = [240], strides = [1]} : vector<496xi32> to vector<240xi32>
    %ge3A_308 = arith.constant 0 : i32
    %ge3A_309 = vector.broadcast %ge3A_308 : i32 to vector<240xi32>
    %ge3A_310 = arith.cmpi sge, %slice3A_307, %ge3A_309 : vector<240xi32>
    %broadcast_in_dim3A_311 = vector.shape_cast %ge3A_310 : vector<240xi1> to vector<1x240xi1>
    %slice3A_312 = vector.extract_strided_slice %transpose3A_288 {offsets = [64, 0], sizes = [64, 240], strides = [1, 1]} : vector<128x256xf32> to vector<64x240xf32>
    %jit3A_313 = arith.constant 0.000000e+00 : f32
    %broadcast_in_dim3A_314 = vector.shape_cast %broadcast_in_dim3A_311 : vector<1x240xi1> to vector<1x240xi1>
    %broadcast_in_dim3A_315 = vector.broadcast %broadcast_in_dim3A_314 : vector<1x240xi1> to vector<64x240xi1>
    %broadcast_in_dim3A_316 = vector.broadcast %jit3A_313 : f32 to vector<64x240xf32>
    %select_n3A_317 = arith.select %broadcast_in_dim3A_315, %slice3A_312, %broadcast_in_dim3A_316 : vector<64x240xi1>, vector<64x240xf32>
    %swap3A_318 = arith.constant 0 : index
    %swap3A_319 = arith.constant 0 : index
    %swap3A_320 = arith.constant 7 : index
    %swap3A_321 = arith.constant 256 : index
    %swap3A_322 = vector.load %arg4[%swap3A_318, %swap3A_319, %swap3A_320, %swap3A_321] : memref<1x64x16x496xf32, #tpu.memory_space<vmem>>, vector<1x64x1x240xf32>
    %swap3A_323 = vector.shape_cast %swap3A_322 : vector<1x64x1x240xf32> to vector<64x240xf32>
    %swap3A_324 = vector.shape_cast %select_n3A_317 : vector<64x240xf32> to vector<1x64x1x240xf32>
    tpu.vector_store %arg4[%swap3A_318, %swap3A_319, %swap3A_320, %swap3A_321], %swap3A_324 {strides = array<i32>} : memref<1x64x16x496xf32, #tpu.memory_space<vmem>>, vector<1x64x1x240xf32>,
    %slice3A_325 = vector.extract_strided_slice %get3A_3 {offsets = [3968], sizes = [496], strides = [1]} : vector<7936xi32> to vector<496xi32>
    %get3A_326 = arith.constant 2048 : index
    %get3A_327 = arith.constant 0 : index
    %get3A_328 = vector.load %arg2[%get3A_326, %get3A_327] : memref<4096x128xf32, #tpu.memory_space<vmem>>, vector<256x128xf32>
    %transpose3A_329 = tpu.transpose %get3A_328, [1, 0] : vector<256x128xf32> -> vector<128x256xf32>
    %slice3A_330 = vector.extract_strided_slice %slice3A_325 {offsets = [0], sizes = [256], strides = [1]} : vector<496xi32> to vector<256xi32>
    %ge3A_331 = arith.constant 0 : i32
    %ge3A_332 = vector.broadcast %ge3A_331 : i32 to vector<256xi32>
    %ge3A_333 = arith.cmpi sge, %slice3A_330, %ge3A_332 : vector<256xi32>
    %broadcast_in_dim3A_334 = vector.shape_cast %ge3A_333 : vector<256xi1> to vector<1x256xi1>
    %slice3A_335 = vector.extract_strided_slice %transpose3A_329 {offsets = [0, 0], sizes = [64, 256], strides = [1, 1]} : vector<128x256xf32> to vector<64x256xf32>
    %jit3A_336 = arith.constant 0.000000e+00 : f32
    %broadcast_in_dim3A_337 = vector.shape_cast %broadcast_in_dim3A_334 : vector<1x256xi1> to vector<1x256xi1>
    %broadcast_in_dim3A_338 = vector.broadcast %broadcast_in_dim3A_337 : vector<1x256xi1> to vector<64x256xi1>
    %broadcast_in_dim3A_339 = vector.broadcast %jit3A_336 : f32 to vector<64x256xf32>
    %select_n3A_340 = arith.select %broadcast_in_dim3A_338, %slice3A_335, %broadcast_in_dim3A_339 : vector<64x256xi1>, vector<64x256xf32>
    %swap3A_341 = arith.constant 0 : index
    %swap3A_342 = arith.constant 0 : index
    %swap3A_343 = arith.constant 8 : index
    %swap3A_344 = arith.constant 0 : index
    %swap3A_345 = vector.load %arg4[%swap3A_341, %swap3A_342, %swap3A_343, %swap3A_344] : memref<1x64x16x496xf32, #tpu.memory_space<vmem>>, vector<1x64x1x256xf32>
    %swap3A_346 = vector.shape_cast %swap3A_345 : vector<1x64x1x256xf32> to vector<64x256xf32>
    %swap3A_347 = vector.shape_cast %select_n3A_340 : vector<64x256xf32> to vector<1x64x1x256xf32>
    tpu.vector_store %arg4[%swap3A_341, %swap3A_342, %swap3A_343, %swap3A_344], %swap3A_347 {strides = array<i32>} : memref<1x64x16x496xf32, #tpu.memory_space<vmem>>, vector<1x64x1x256xf32>,
    %slice3A_348 = vector.extract_strided_slice %slice3A_325 {offsets = [256], sizes = [240], strides = [1]} : vector<496xi32> to vector<240xi32>
    %ge3A_349 = arith.constant 0 : i32
    %ge3A_350 = vector.broadcast %ge3A_349 : i32 to vector<240xi32>
    %ge3A_351 = arith.cmpi sge, %slice3A_348, %ge3A_350 : vector<240xi32>
    %broadcast_in_dim3A_352 = vector.shape_cast %ge3A_351 : vector<240xi1> to vector<1x240xi1>
    %slice3A_353 = vector.extract_strided_slice %transpose3A_329 {offsets = [64, 0], sizes = [64, 240], strides = [1, 1]} : vector<128x256xf32> to vector<64x240xf32>
    %jit3A_354 = arith.constant 0.000000e+00 : f32
    %broadcast_in_dim3A_355 = vector.shape_cast %broadcast_in_dim3A_352 : vector<1x240xi1> to vector<1x240xi1>
    %broadcast_in_dim3A_356 = vector.broadcast %broadcast_in_dim3A_355 : vector<1x240xi1> to vector<64x240xi1>
    %broadcast_in_dim3A_357 = vector.broadcast %jit3A_354 : f32 to vector<64x240xf32>
    %select_n3A_358 = arith.select %broadcast_in_dim3A_356, %slice3A_353, %broadcast_in_dim3A_357 : vector<64x240xi1>, vector<64x240xf32>
    %swap3A_359 = arith.constant 0 : index
    %swap3A_360 = arith.constant 0 : index
    %swap3A_361 = arith.constant 8 : index
    %swap3A_362 = arith.constant 256 : index
    %swap3A_363 = vector.load %arg4[%swap3A_359, %swap3A_360, %swap3A_361, %swap3A_362] : memref<1x64x16x496xf32, #tpu.memory_space<vmem>>, vector<1x64x1x240xf32>
    %swap3A_364 = vector.shape_cast %swap3A_363 : vector<1x64x1x240xf32> to vector<64x240xf32>
    %swap3A_365 = vector.shape_cast %select_n3A_358 : vector<64x240xf32> to vector<1x64x1x240xf32>
    tpu.vector_store %arg4[%swap3A_359, %swap3A_360, %swap3A_361, %swap3A_362], %swap3A_365 {strides = array<i32>} : memref<1x64x16x496xf32, #tpu.memory_space<vmem>>, vector<1x64x1x240xf32>,
    %slice3A_366 = vector.extract_strided_slice %get3A_3 {offsets = [4464], sizes = [496], strides = [1]} : vector<7936xi32> to vector<496xi32>
    %get3A_367 = arith.constant 2304 : index
    %get3A_368 = arith.constant 0 : index
    %get3A_369 = vector.load %arg2[%get3A_367, %get3A_368] : memref<4096x128xf32, #tpu.memory_space<vmem>>, vector<256x128xf32>
    %transpose3A_370 = tpu.transpose %get3A_369, [1, 0] : vector<256x128xf32> -> vector<128x256xf32>
    %slice3A_371 = vector.extract_strided_slice %slice3A_366 {offsets = [0], sizes = [256], strides = [1]} : vector<496xi32> to vector<256xi32>
    %ge3A_372 = arith.constant 0 : i32
    %ge3A_373 = vector.broadcast %ge3A_372 : i32 to vector<256xi32>
    %ge3A_374 = arith.cmpi sge, %slice3A_371, %ge3A_373 : vector<256xi32>
    %broadcast_in_dim3A_375 = vector.shape_cast %ge3A_374 : vector<256xi1> to vector<1x256xi1>
    %slice3A_376 = vector.extract_strided_slice %transpose3A_370 {offsets = [0, 0], sizes = [64, 256], strides = [1, 1]} : vector<128x256xf32> to vector<64x256xf32>
    %jit3A_377 = arith.constant 0.000000e+00 : f32
    %broadcast_in_dim3A_378 = vector.shape_cast %broadcast_in_dim3A_375 : vector<1x256xi1> to vector<1x256xi1>
    %broadcast_in_dim3A_379 = vector.broadcast %broadcast_in_dim3A_378 : vector<1x256xi1> to vector<64x256xi1>
    %broadcast_in_dim3A_380 = vector.broadcast %jit3A_377 : f32 to vector<64x256xf32>
    %select_n3A_381 = arith.select %broadcast_in_dim3A_379, %slice3A_376, %broadcast_in_dim3A_380 : vector<64x256xi1>, vector<64x256xf32>
    %swap3A_382 = arith.constant 0 : index
    %swap3A_383 = arith.constant 0 : index
    %swap3A_384 = arith.constant 9 : index
    %swap3A_385 = arith.constant 0 : index
    %swap3A_386 = vector.load %arg4[%swap3A_382, %swap3A_383, %swap3A_384, %swap3A_385] : memref<1x64x16x496xf32, #tpu.memory_space<vmem>>, vector<1x64x1x256xf32>
    %swap3A_387 = vector.shape_cast %swap3A_386 : vector<1x64x1x256xf32> to vector<64x256xf32>
    %swap3A_388 = vector.shape_cast %select_n3A_381 : vector<64x256xf32> to vector<1x64x1x256xf32>
    tpu.vector_store %arg4[%swap3A_382, %swap3A_383, %swap3A_384, %swap3A_385], %swap3A_388 {strides = array<i32>} : memref<1x64x16x496xf32, #tpu.memory_space<vmem>>, vector<1x64x1x256xf32>,
    %slice3A_389 = vector.extract_strided_slice %slice3A_366 {offsets = [256], sizes = [240], strides = [1]} : vector<496xi32> to vector<240xi32>
    %ge3A_390 = arith.constant 0 : i32
    %ge3A_391 = vector.broadcast %ge3A_390 : i32 to vector<240xi32>
    %ge3A_392 = arith.cmpi sge, %slice3A_389, %ge3A_391 : vector<240xi32>
    %broadcast_in_dim3A_393 = vector.shape_cast %ge3A_392 : vector<240xi1> to vector<1x240xi1>
    %slice3A_394 = vector.extract_strided_slice %transpose3A_370 {offsets = [64, 0], sizes = [64, 240], strides = [1, 1]} : vector<128x256xf32> to vector<64x240xf32>
    %jit3A_395 = arith.constant 0.000000e+00 : f32
    %broadcast_in_dim3A_396 = vector.shape_cast %broadcast_in_dim3A_393 : vector<1x240xi1> to vector<1x240xi1>
    %broadcast_in_dim3A_397 = vector.broadcast %broadcast_in_dim3A_396 : vector<1x240xi1> to vector<64x240xi1>
    %broadcast_in_dim3A_398 = vector.broadcast %jit3A_395 : f32 to vector<64x240xf32>
    %select_n3A_399 = arith.select %broadcast_in_dim3A_397, %slice3A_394, %broadcast_in_dim3A_398 : vector<64x240xi1>, vector<64x240xf32>
    %swap3A_400 = arith.constant 0 : index
    %swap3A_401 = arith.constant 0 : index
    %swap3A_402 = arith.constant 9 : index
    %swap3A_403 = arith.constant 256 : index
    %swap3A_404 = vector.load %arg4[%swap3A_400, %swap3A_401, %swap3A_402, %swap3A_403] : memref<1x64x16x496xf32, #tpu.memory_space<vmem>>, vector<1x64x1x240xf32>
    %swap3A_405 = vector.shape_cast %swap3A_404 : vector<1x64x1x240xf32> to vector<64x240xf32>
    %swap3A_406 = vector.shape_cast %select_n3A_399 : vector<64x240xf32> to vector<1x64x1x240xf32>
    tpu.vector_store %arg4[%swap3A_400, %swap3A_401, %swap3A_402, %swap3A_403], %swap3A_406 {strides = array<i32>} : memref<1x64x16x496xf32, #tpu.memory_space<vmem>>, vector<1x64x1x240xf32>,
    %slice3A_407 = vector.extract_strided_slice %get3A_3 {offsets = [4960], sizes = [496], strides = [1]} : vector<7936xi32> to vector<496xi32>
    %get3A_408 = arith.constant 2560 : index
    %get3A_409 = arith.constant 0 : index
    %get3A_410 = vector.load %arg2[%get3A_408, %get3A_409] : memref<4096x128xf32, #tpu.memory_space<vmem>>, vector<256x128xf32>
    %transpose3A_411 = tpu.transpose %get3A_410, [1, 0] : vector<256x128xf32> -> vector<128x256xf32>
    %slice3A_412 = vector.extract_strided_slice %slice3A_407 {offsets = [0], sizes = [256], strides = [1]} : vector<496xi32> to vector<256xi32>
    %ge3A_413 = arith.constant 0 : i32
    %ge3A_414 = vector.broadcast %ge3A_413 : i32 to vector<256xi32>
    %ge3A_415 = arith.cmpi sge, %slice3A_412, %ge3A_414 : vector<256xi32>
    %broadcast_in_dim3A_416 = vector.shape_cast %ge3A_415 : vector<256xi1> to vector<1x256xi1>
    %slice3A_417 = vector.extract_strided_slice %transpose3A_411 {offsets = [0, 0], sizes = [64, 256], strides = [1, 1]} : vector<128x256xf32> to vector<64x256xf32>
    %jit3A_418 = arith.constant 0.000000e+00 : f32
    %broadcast_in_dim3A_419 = vector.shape_cast %broadcast_in_dim3A_416 : vector<1x256xi1> to vector<1x256xi1>
    %broadcast_in_dim3A_420 = vector.broadcast %broadcast_in_dim3A_419 : vector<1x256xi1> to vector<64x256xi1>
    %broadcast_in_dim3A_421 = vector.broadcast %jit3A_418 : f32 to vector<64x256xf32>
    %select_n3A_422 = arith.select %broadcast_in_dim3A_420, %slice3A_417, %broadcast_in_dim3A_421 : vector<64x256xi1>, vector<64x256xf32>
    %swap3A_423 = arith.constant 0 : index
    %swap3A_424 = arith.constant 0 : index
    %swap3A_425 = arith.constant 10 : index
    %swap3A_426 = arith.constant 0 : index
    %swap3A_427 = vector.load %arg4[%swap3A_423, %swap3A_424, %swap3A_425, %swap3A_426] : memref<1x64x16x496xf32, #tpu.memory_space<vmem>>, vector<1x64x1x256xf32>
    %swap3A_428 = vector.shape_cast %swap3A_427 : vector<1x64x1x256xf32> to vector<64x256xf32>
    %swap3A_429 = vector.shape_cast %select_n3A_422 : vector<64x256xf32> to vector<1x64x1x256xf32>
    tpu.vector_store %arg4[%swap3A_423, %swap3A_424, %swap3A_425, %swap3A_426], %swap3A_429 {strides = array<i32>} : memref<1x64x16x496xf32, #tpu.memory_space<vmem>>, vector<1x64x1x256xf32>,
    %slice3A_430 = vector.extract_strided_slice %slice3A_407 {offsets = [256], sizes = [240], strides = [1]} : vector<496xi32> to vector<240xi32>
    %ge3A_431 = arith.constant 0 : i32
    %ge3A_432 = vector.broadcast %ge3A_431 : i32 to vector<240xi32>
    %ge3A_433 = arith.cmpi sge, %slice3A_430, %ge3A_432 : vector<240xi32>
    %broadcast_in_dim3A_434 = vector.shape_cast %ge3A_433 : vector<240xi1> to vector<1x240xi1>
    %slice3A_435 = vector.extract_strided_slice %transpose3A_411 {offsets = [64, 0], sizes = [64, 240], strides = [1, 1]} : vector<128x256xf32> to vector<64x240xf32>
    %jit3A_436 = arith.constant 0.000000e+00 : f32
    %broadcast_in_dim3A_437 = vector.shape_cast %broadcast_in_dim3A_434 : vector<1x240xi1> to vector<1x240xi1>
    %broadcast_in_dim3A_438 = vector.broadcast %broadcast_in_dim3A_437 : vector<1x240xi1> to vector<64x240xi1>
    %broadcast_in_dim3A_439 = vector.broadcast %jit3A_436 : f32 to vector<64x240xf32>
    %select_n3A_440 = arith.select %broadcast_in_dim3A_438, %slice3A_435, %broadcast_in_dim3A_439 : vector<64x240xi1>, vector<64x240xf32>
    %swap3A_441 = arith.constant 0 : index
    %swap3A_442 = arith.constant 0 : index
    %swap3A_443 = arith.constant 10 : index
    %swap3A_444 = arith.constant 256 : index
    %swap3A_445 = vector.load %arg4[%swap3A_441, %swap3A_442, %swap3A_443, %swap3A_444] : memref<1x64x16x496xf32, #tpu.memory_space<vmem>>, vector<1x64x1x240xf32>
    %swap3A_446 = vector.shape_cast %swap3A_445 : vector<1x64x1x240xf32> to vector<64x240xf32>
    %swap3A_447 = vector.shape_cast %select_n3A_440 : vector<64x240xf32> to vector<1x64x1x240xf32>
    tpu.vector_store %arg4[%swap3A_441, %swap3A_442, %swap3A_443, %swap3A_444], %swap3A_447 {strides = array<i32>} : memref<1x64x16x496xf32, #tpu.memory_space<vmem>>, vector<1x64x1x240xf32>,
    %slice3A_448 = vector.extract_strided_slice %get3A_3 {offsets = [5456], sizes = [496], strides = [1]} : vector<7936xi32> to vector<496xi32>
    %get3A_449 = arith.constant 2816 : index
    %get3A_450 = arith.constant 0 : index
    %get3A_451 = vector.load %arg2[%get3A_449, %get3A_450] : memref<4096x128xf32, #tpu.memory_space<vmem>>, vector<256x128xf32>
    %transpose3A_452 = tpu.transpose %get3A_451, [1, 0] : vector<256x128xf32> -> vector<128x256xf32>
    %slice3A_453 = vector.extract_strided_slice %slice3A_448 {offsets = [0], sizes = [256], strides = [1]} : vector<496xi32> to vector<256xi32>
    %ge3A_454 = arith.constant 0 : i32
    %ge3A_455 = vector.broadcast %ge3A_454 : i32 to vector<256xi32>
    %ge3A_456 = arith.cmpi sge, %slice3A_453, %ge3A_455 : vector<256xi32>
    %broadcast_in_dim3A_457 = vector.shape_cast %ge3A_456 : vector<256xi1> to vector<1x256xi1>
    %slice3A_458 = vector.extract_strided_slice %transpose3A_452 {offsets = [0, 0], sizes = [64, 256], strides = [1, 1]} : vector<128x256xf32> to vector<64x256xf32>
    %jit3A_459 = arith.constant 0.000000e+00 : f32
    %broadcast_in_dim3A_460 = vector.shape_cast %broadcast_in_dim3A_457 : vector<1x256xi1> to vector<1x256xi1>
    %broadcast_in_dim3A_461 = vector.broadcast %broadcast_in_dim3A_460 : vector<1x256xi1> to vector<64x256xi1>
    %broadcast_in_dim3A_462 = vector.broadcast %jit3A_459 : f32 to vector<64x256xf32>
    %select_n3A_463 = arith.select %broadcast_in_dim3A_461, %slice3A_458, %broadcast_in_dim3A_462 : vector<64x256xi1>, vector<64x256xf32>
    %swap3A_464 = arith.constant 0 : index
    %swap3A_465 = arith.constant 0 : index
    %swap3A_466 = arith.constant 11 : index
    %swap3A_467 = arith.constant 0 : index
    %swap3A_468 = vector.load %arg4[%swap3A_464, %swap3A_465, %swap3A_466, %swap3A_467] : memref<1x64x16x496xf32, #tpu.memory_space<vmem>>, vector<1x64x1x256xf32>
    %swap3A_469 = vector.shape_cast %swap3A_468 : vector<1x64x1x256xf32> to vector<64x256xf32>
    %swap3A_470 = vector.shape_cast %select_n3A_463 : vector<64x256xf32> to vector<1x64x1x256xf32>
    tpu.vector_store %arg4[%swap3A_464, %swap3A_465, %swap3A_466, %swap3A_467], %swap3A_470 {strides = array<i32>} : memref<1x64x16x496xf32, #tpu.memory_space<vmem>>, vector<1x64x1x256xf32>,
    %slice3A_471 = vector.extract_strided_slice %slice3A_448 {offsets = [256], sizes = [240], strides = [1]} : vector<496xi32> to vector<240xi32>
    %ge3A_472 = arith.constant 0 : i32
    %ge3A_473 = vector.broadcast %ge3A_472 : i32 to vector<240xi32>
    %ge3A_474 = arith.cmpi sge, %slice3A_471, %ge3A_473 : vector<240xi32>
    %broadcast_in_dim3A_475 = vector.shape_cast %ge3A_474 : vector<240xi1> to vector<1x240xi1>
    %slice3A_476 = vector.extract_strided_slice %transpose3A_452 {offsets = [64, 0], sizes = [64, 240], strides = [1, 1]} : vector<128x256xf32> to vector<64x240xf32>
    %jit3A_477 = arith.constant 0.000000e+00 : f32
    %broadcast_in_dim3A_478 = vector.shape_cast %broadcast_in_dim3A_475 : vector<1x240xi1> to vector<1x240xi1>
    %broadcast_in_dim3A_479 = vector.broadcast %broadcast_in_dim3A_478 : vector<1x240xi1> to vector<64x240xi1>
    %broadcast_in_dim3A_480 = vector.broadcast %jit3A_477 : f32 to vector<64x240xf32>
    %select_n3A_481 = arith.select %broadcast_in_dim3A_479, %slice3A_476, %broadcast_in_dim3A_480 : vector<64x240xi1>, vector<64x240xf32>
    %swap3A_482 = arith.constant 0 : index
    %swap3A_483 = arith.constant 0 : index
    %swap3A_484 = arith.constant 11 : index
    %swap3A_485 = arith.constant 256 : index
    %swap3A_486 = vector.load %arg4[%swap3A_482, %swap3A_483, %swap3A_484, %swap3A_485] : memref<1x64x16x496xf32, #tpu.memory_space<vmem>>, vector<1x64x1x240xf32>
    %swap3A_487 = vector.shape_cast %swap3A_486 : vector<1x64x1x240xf32> to vector<64x240xf32>
    %swap3A_488 = vector.shape_cast %select_n3A_481 : vector<64x240xf32> to vector<1x64x1x240xf32>
    tpu.vector_store %arg4[%swap3A_482, %swap3A_483, %swap3A_484, %swap3A_485], %swap3A_488 {strides = array<i32>} : memref<1x64x16x496xf32, #tpu.memory_space<vmem>>, vector<1x64x1x240xf32>,
    %slice3A_489 = vector.extract_strided_slice %get3A_3 {offsets = [5952], sizes = [496], strides = [1]} : vector<7936xi32> to vector<496xi32>
    %get3A_490 = arith.constant 3072 : index
    %get3A_491 = arith.constant 0 : index
    %get3A_492 = vector.load %arg2[%get3A_490, %get3A_491] : memref<4096x128xf32, #tpu.memory_space<vmem>>, vector<256x128xf32>
    %transpose3A_493 = tpu.transpose %get3A_492, [1, 0] : vector<256x128xf32> -> vector<128x256xf32>
    %slice3A_494 = vector.extract_strided_slice %slice3A_489 {offsets = [0], sizes = [256], strides = [1]} : vector<496xi32> to vector<256xi32>
    %ge3A_495 = arith.constant 0 : i32
    %ge3A_496 = vector.broadcast %ge3A_495 : i32 to vector<256xi32>
    %ge3A_497 = arith.cmpi sge, %slice3A_494, %ge3A_496 : vector<256xi32>
    %broadcast_in_dim3A_498 = vector.shape_cast %ge3A_497 : vector<256xi1> to vector<1x256xi1>
    %slice3A_499 = vector.extract_strided_slice %transpose3A_493 {offsets = [0, 0], sizes = [64, 256], strides = [1, 1]} : vector<128x256xf32> to vector<64x256xf32>
    %jit3A_500 = arith.constant 0.000000e+00 : f32
    %broadcast_in_dim3A_501 = vector.shape_cast %broadcast_in_dim3A_498 : vector<1x256xi1> to vector<1x256xi1>
    %broadcast_in_dim3A_502 = vector.broadcast %broadcast_in_dim3A_501 : vector<1x256xi1> to vector<64x256xi1>
    %broadcast_in_dim3A_503 = vector.broadcast %jit3A_500 : f32 to vector<64x256xf32>
    %select_n3A_504 = arith.select %broadcast_in_dim3A_502, %slice3A_499, %broadcast_in_dim3A_503 : vector<64x256xi1>, vector<64x256xf32>
    %swap3A_505 = arith.constant 0 : index
    %swap3A_506 = arith.constant 0 : index
    %swap3A_507 = arith.constant 12 : index
    %swap3A_508 = arith.constant 0 : index
    %swap3A_509 = vector.load %arg4[%swap3A_505, %swap3A_506, %swap3A_507, %swap3A_508] : memref<1x64x16x496xf32, #tpu.memory_space<vmem>>, vector<1x64x1x256xf32>
    %swap3A_510 = vector.shape_cast %swap3A_509 : vector<1x64x1x256xf32> to vector<64x256xf32>
    %swap3A_511 = vector.shape_cast %select_n3A_504 : vector<64x256xf32> to vector<1x64x1x256xf32>
    tpu.vector_store %arg4[%swap3A_505, %swap3A_506, %swap3A_507, %swap3A_508], %swap3A_511 {strides = array<i32>} : memref<1x64x16x496xf32, #tpu.memory_space<vmem>>, vector<1x64x1x256xf32>,
    %slice3A_512 = vector.extract_strided_slice %slice3A_489 {offsets = [256], sizes = [240], strides = [1]} : vector<496xi32> to vector<240xi32>
    %ge3A_513 = arith.constant 0 : i32
    %ge3A_514 = vector.broadcast %ge3A_513 : i32 to vector<240xi32>
    %ge3A_515 = arith.cmpi sge, %slice3A_512, %ge3A_514 : vector<240xi32>
    %broadcast_in_dim3A_516 = vector.shape_cast %ge3A_515 : vector<240xi1> to vector<1x240xi1>
    %slice3A_517 = vector.extract_strided_slice %transpose3A_493 {offsets = [64, 0], sizes = [64, 240], strides = [1, 1]} : vector<128x256xf32> to vector<64x240xf32>
    %jit3A_518 = arith.constant 0.000000e+00 : f32
    %broadcast_in_dim3A_519 = vector.shape_cast %broadcast_in_dim3A_516 : vector<1x240xi1> to vector<1x240xi1>
    %broadcast_in_dim3A_520 = vector.broadcast %broadcast_in_dim3A_519 : vector<1x240xi1> to vector<64x240xi1>
    %broadcast_in_dim3A_521 = vector.broadcast %jit3A_518 : f32 to vector<64x240xf32>
    %select_n3A_522 = arith.select %broadcast_in_dim3A_520, %slice3A_517, %broadcast_in_dim3A_521 : vector<64x240xi1>, vector<64x240xf32>
    %swap3A_523 = arith.constant 0 : index
    %swap3A_524 = arith.constant 0 : index
    %swap3A_525 = arith.constant 12 : index
    %swap3A_526 = arith.constant 256 : index
    %swap3A_527 = vector.load %arg4[%swap3A_523, %swap3A_524, %swap3A_525, %swap3A_526] : memref<1x64x16x496xf32, #tpu.memory_space<vmem>>, vector<1x64x1x240xf32>
    %swap3A_528 = vector.shape_cast %swap3A_527 : vector<1x64x1x240xf32> to vector<64x240xf32>
    %swap3A_529 = vector.shape_cast %select_n3A_522 : vector<64x240xf32> to vector<1x64x1x240xf32>
    tpu.vector_store %arg4[%swap3A_523, %swap3A_524, %swap3A_525, %swap3A_526], %swap3A_529 {strides = array<i32>} : memref<1x64x16x496xf32, #tpu.memory_space<vmem>>, vector<1x64x1x240xf32>,
    %slice3A_530 = vector.extract_strided_slice %get3A_3 {offsets = [6448], sizes = [496], strides = [1]} : vector<7936xi32> to vector<496xi32>
    %get3A_531 = arith.constant 3328 : index
    %get3A_532 = arith.constant 0 : index
    %get3A_533 = vector.load %arg2[%get3A_531, %get3A_532] : memref<4096x128xf32, #tpu.memory_space<vmem>>, vector<256x128xf32>
    %transpose3A_534 = tpu.transpose %get3A_533, [1, 0] : vector<256x128xf32> -> vector<128x256xf32>
    %slice3A_535 = vector.extract_strided_slice %slice3A_530 {offsets = [0], sizes = [256], strides = [1]} : vector<496xi32> to vector<256xi32>
    %ge3A_536 = arith.constant 0 : i32
    %ge3A_537 = vector.broadcast %ge3A_536 : i32 to vector<256xi32>
    %ge3A_538 = arith.cmpi sge, %slice3A_535, %ge3A_537 : vector<256xi32>
    %broadcast_in_dim3A_539 = vector.shape_cast %ge3A_538 : vector<256xi1> to vector<1x256xi1>
    %slice3A_540 = vector.extract_strided_slice %transpose3A_534 {offsets = [0, 0], sizes = [64, 256], strides = [1, 1]} : vector<128x256xf32> to vector<64x256xf32>
    %jit3A_541 = arith.constant 0.000000e+00 : f32
    %broadcast_in_dim3A_542 = vector.shape_cast %broadcast_in_dim3A_539 : vector<1x256xi1> to vector<1x256xi1>
    %broadcast_in_dim3A_543 = vector.broadcast %broadcast_in_dim3A_542 : vector<1x256xi1> to vector<64x256xi1>
    %broadcast_in_dim3A_544 = vector.broadcast %jit3A_541 : f32 to vector<64x256xf32>
    %select_n3A_545 = arith.select %broadcast_in_dim3A_543, %slice3A_540, %broadcast_in_dim3A_544 : vector<64x256xi1>, vector<64x256xf32>
    %swap3A_546 = arith.constant 0 : index
    %swap3A_547 = arith.constant 0 : index
    %swap3A_548 = arith.constant 13 : index
    %swap3A_549 = arith.constant 0 : index
    %swap3A_550 = vector.load %arg4[%swap3A_546, %swap3A_547, %swap3A_548, %swap3A_549] : memref<1x64x16x496xf32, #tpu.memory_space<vmem>>, vector<1x64x1x256xf32>
    %swap3A_551 = vector.shape_cast %swap3A_550 : vector<1x64x1x256xf32> to vector<64x256xf32>
    %swap3A_552 = vector.shape_cast %select_n3A_545 : vector<64x256xf32> to vector<1x64x1x256xf32>
    tpu.vector_store %arg4[%swap3A_546, %swap3A_547, %swap3A_548, %swap3A_549], %swap3A_552 {strides = array<i32>} : memref<1x64x16x496xf32, #tpu.memory_space<vmem>>, vector<1x64x1x256xf32>,
    %slice3A_553 = vector.extract_strided_slice %slice3A_530 {offsets = [256], sizes = [240], strides = [1]} : vector<496xi32> to vector<240xi32>
    %ge3A_554 = arith.constant 0 : i32
    %ge3A_555 = vector.broadcast %ge3A_554 : i32 to vector<240xi32>
    %ge3A_556 = arith.cmpi sge, %slice3A_553, %ge3A_555 : vector<240xi32>
    %broadcast_in_dim3A_557 = vector.shape_cast %ge3A_556 : vector<240xi1> to vector<1x240xi1>
    %slice3A_558 = vector.extract_strided_slice %transpose3A_534 {offsets = [64, 0], sizes = [64, 240], strides = [1, 1]} : vector<128x256xf32> to vector<64x240xf32>
    %jit3A_559 = arith.constant 0.000000e+00 : f32
    %broadcast_in_dim3A_560 = vector.shape_cast %broadcast_in_dim3A_557 : vector<1x240xi1> to vector<1x240xi1>
    %broadcast_in_dim3A_561 = vector.broadcast %broadcast_in_dim3A_560 : vector<1x240xi1> to vector<64x240xi1>
    %broadcast_in_dim3A_562 = vector.broadcast %jit3A_559 : f32 to vector<64x240xf32>
    %select_n3A_563 = arith.select %broadcast_in_dim3A_561, %slice3A_558, %broadcast_in_dim3A_562 : vector<64x240xi1>, vector<64x240xf32>
    %swap3A_564 = arith.constant 0 : index
    %swap3A_565 = arith.constant 0 : index
    %swap3A_566 = arith.constant 13 : index
    %swap3A_567 = arith.constant 256 : index
    %swap3A_568 = vector.load %arg4[%swap3A_564, %swap3A_565, %swap3A_566, %swap3A_567] : memref<1x64x16x496xf32, #tpu.memory_space<vmem>>, vector<1x64x1x240xf32>
    %swap3A_569 = vector.shape_cast %swap3A_568 : vector<1x64x1x240xf32> to vector<64x240xf32>
    %swap3A_570 = vector.shape_cast %select_n3A_563 : vector<64x240xf32> to vector<1x64x1x240xf32>
    tpu.vector_store %arg4[%swap3A_564, %swap3A_565, %swap3A_566, %swap3A_567], %swap3A_570 {strides = array<i32>} : memref<1x64x16x496xf32, #tpu.memory_space<vmem>>, vector<1x64x1x240xf32>,
    %slice3A_571 = vector.extract_strided_slice %get3A_3 {offsets = [6944], sizes = [496], strides = [1]} : vector<7936xi32> to vector<496xi32>
    %get3A_572 = arith.constant 3584 : index
    %get3A_573 = arith.constant 0 : index
    %get3A_574 = vector.load %arg2[%get3A_572, %get3A_573] : memref<4096x128xf32, #tpu.memory_space<vmem>>, vector<256x128xf32>
    %transpose3A_575 = tpu.transpose %get3A_574, [1, 0] : vector<256x128xf32> -> vector<128x256xf32>
    %slice3A_576 = vector.extract_strided_slice %slice3A_571 {offsets = [0], sizes = [256], strides = [1]} : vector<496xi32> to vector<256xi32>
    %ge3A_577 = arith.constant 0 : i32
    %ge3A_578 = vector.broadcast %ge3A_577 : i32 to vector<256xi32>
    %ge3A_579 = arith.cmpi sge, %slice3A_576, %ge3A_578 : vector<256xi32>
    %broadcast_in_dim3A_580 = vector.shape_cast %ge3A_579 : vector<256xi1> to vector<1x256xi1>
    %slice3A_581 = vector.extract_strided_slice %transpose3A_575 {offsets = [0, 0], sizes = [64, 256], strides = [1, 1]} : vector<128x256xf32> to vector<64x256xf32>
    %jit3A_582 = arith.constant 0.000000e+00 : f32
    %broadcast_in_dim3A_583 = vector.shape_cast %broadcast_in_dim3A_580 : vector<1x256xi1> to vector<1x256xi1>
    %broadcast_in_dim3A_584 = vector.broadcast %broadcast_in_dim3A_583 : vector<1x256xi1> to vector<64x256xi1>
    %broadcast_in_dim3A_585 = vector.broadcast %jit3A_582 : f32 to vector<64x256xf32>
    %select_n3A_586 = arith.select %broadcast_in_dim3A_584, %slice3A_581, %broadcast_in_dim3A_585 : vector<64x256xi1>, vector<64x256xf32>
    %swap3A_587 = arith.constant 0 : index
    %swap3A_588 = arith.constant 0 : index
    %swap3A_589 = arith.constant 14 : index
    %swap3A_590 = arith.constant 0 : index
    %swap3A_591 = vector.load %arg4[%swap3A_587, %swap3A_588, %swap3A_589, %swap3A_590] : memref<1x64x16x496xf32, #tpu.memory_space<vmem>>, vector<1x64x1x256xf32>
    %swap3A_592 = vector.shape_cast %swap3A_591 : vector<1x64x1x256xf32> to vector<64x256xf32>
    %swap3A_593 = vector.shape_cast %select_n3A_586 : vector<64x256xf32> to vector<1x64x1x256xf32>
    tpu.vector_store %arg4[%swap3A_587, %swap3A_588, %swap3A_589, %swap3A_590], %swap3A_593 {strides = array<i32>} : memref<1x64x16x496xf32, #tpu.memory_space<vmem>>, vector<1x64x1x256xf32>,
    %slice3A_594 = vector.extract_strided_slice %slice3A_571 {offsets = [256], sizes = [240], strides = [1]} : vector<496xi32> to vector<240xi32>
    %ge3A_595 = arith.constant 0 : i32
    %ge3A_596 = vector.broadcast %ge3A_595 : i32 to vector<240xi32>
    %ge3A_597 = arith.cmpi sge, %slice3A_594, %ge3A_596 : vector<240xi32>
    %broadcast_in_dim3A_598 = vector.shape_cast %ge3A_597 : vector<240xi1> to vector<1x240xi1>
    %slice3A_599 = vector.extract_strided_slice %transpose3A_575 {offsets = [64, 0], sizes = [64, 240], strides = [1, 1]} : vector<128x256xf32> to vector<64x240xf32>
    %jit3A_600 = arith.constant 0.000000e+00 : f32
    %broadcast_in_dim3A_601 = vector.shape_cast %broadcast_in_dim3A_598 : vector<1x240xi1> to vector<1x240xi1>
    %broadcast_in_dim3A_602 = vector.broadcast %broadcast_in_dim3A_601 : vector<1x240xi1> to vector<64x240xi1>
    %broadcast_in_dim3A_603 = vector.broadcast %jit3A_600 : f32 to vector<64x240xf32>
    %select_n3A_604 = arith.select %broadcast_in_dim3A_602, %slice3A_599, %broadcast_in_dim3A_603 : vector<64x240xi1>, vector<64x240xf32>
    %swap3A_605 = arith.constant 0 : index
    %swap3A_606 = arith.constant 0 : index
    %swap3A_607 = arith.constant 14 : index
    %swap3A_608 = arith.constant 256 : index
    %swap3A_609 = vector.load %arg4[%swap3A_605, %swap3A_606, %swap3A_607, %swap3A_608] : memref<1x64x16x496xf32, #tpu.memory_space<vmem>>, vector<1x64x1x240xf32>
    %swap3A_610 = vector.shape_cast %swap3A_609 : vector<1x64x1x240xf32> to vector<64x240xf32>
    %swap3A_611 = vector.shape_cast %select_n3A_604 : vector<64x240xf32> to vector<1x64x1x240xf32>
    tpu.vector_store %arg4[%swap3A_605, %swap3A_606, %swap3A_607, %swap3A_608], %swap3A_611 {strides = array<i32>} : memref<1x64x16x496xf32, #tpu.memory_space<vmem>>, vector<1x64x1x240xf32>,
    %slice3A_612 = vector.extract_strided_slice %get3A_3 {offsets = [7440], sizes = [496], strides = [1]} : vector<7936xi32> to vector<496xi32>
    %get3A_613 = arith.constant 3840 : index
    %get3A_614 = arith.constant 0 : index
    %get3A_615 = vector.load %arg2[%get3A_613, %get3A_614] : memref<4096x128xf32, #tpu.memory_space<vmem>>, vector<256x128xf32>
    %transpose3A_616 = tpu.transpose %get3A_615, [1, 0] : vector<256x128xf32> -> vector<128x256xf32>
    %slice3A_617 = vector.extract_strided_slice %slice3A_612 {offsets = [0], sizes = [256], strides = [1]} : vector<496xi32> to vector<256xi32>
    %ge3A_618 = arith.constant 0 : i32
    %ge3A_619 = vector.broadcast %ge3A_618 : i32 to vector<256xi32>
    %ge3A_620 = arith.cmpi sge, %slice3A_617, %ge3A_619 : vector<256xi32>
    %broadcast_in_dim3A_621 = vector.shape_cast %ge3A_620 : vector<256xi1> to vector<1x256xi1>
    %slice3A_622 = vector.extract_strided_slice %transpose3A_616 {offsets = [0, 0], sizes = [64, 256], strides = [1, 1]} : vector<128x256xf32> to vector<64x256xf32>
    %jit3A_623 = arith.constant 0.000000e+00 : f32
    %broadcast_in_dim3A_624 = vector.shape_cast %broadcast_in_dim3A_621 : vector<1x256xi1> to vector<1x256xi1>
    %broadcast_in_dim3A_625 = vector.broadcast %broadcast_in_dim3A_624 : vector<1x256xi1> to vector<64x256xi1>
    %broadcast_in_dim3A_626 = vector.broadcast %jit3A_623 : f32 to vector<64x256xf32>
    %select_n3A_627 = arith.select %broadcast_in_dim3A_625, %slice3A_622, %broadcast_in_dim3A_626 : vector<64x256xi1>, vector<64x256xf32>
    %swap3A_628 = arith.constant 0 : index
    %swap3A_629 = arith.constant 0 : index
    %swap3A_630 = arith.constant 15 : index
    %swap3A_631 = arith.constant 0 : index
    %swap3A_632 = vector.load %arg4[%swap3A_628, %swap3A_629, %swap3A_630, %swap3A_631] : memref<1x64x16x496xf32, #tpu.memory_space<vmem>>, vector<1x64x1x256xf32>
    %swap3A_633 = vector.shape_cast %swap3A_632 : vector<1x64x1x256xf32> to vector<64x256xf32>
    %swap3A_634 = vector.shape_cast %select_n3A_627 : vector<64x256xf32> to vector<1x64x1x256xf32>
    tpu.vector_store %arg4[%swap3A_628, %swap3A_629, %swap3A_630, %swap3A_631], %swap3A_634 {strides = array<i32>} : memref<1x64x16x496xf32, #tpu.memory_space<vmem>>, vector<1x64x1x256xf32>,
    %slice3A_635 = vector.extract_strided_slice %slice3A_612 {offsets = [256], sizes = [240], strides = [1]} : vector<496xi32> to vector<240xi32>
    %ge3A_636 = arith.constant 0 : i32
    %ge3A_637 = vector.broadcast %ge3A_636 : i32 to vector<240xi32>
    %ge3A_638 = arith.cmpi sge, %slice3A_635, %ge3A_637 : vector<240xi32>
    %broadcast_in_dim3A_639 = vector.shape_cast %ge3A_638 : vector<240xi1> to vector<1x240xi1>
    %slice3A_640 = vector.extract_strided_slice %transpose3A_616 {offsets = [64, 0], sizes = [64, 240], strides = [1, 1]} : vector<128x256xf32> to vector<64x240xf32>
    %jit3A_641 = arith.constant 0.000000e+00 : f32
    %broadcast_in_dim3A_642 = vector.shape_cast %broadcast_in_dim3A_639 : vector<1x240xi1> to vector<1x240xi1>
    %broadcast_in_dim3A_643 = vector.broadcast %broadcast_in_dim3A_642 : vector<1x240xi1> to vector<64x240xi1>
    %broadcast_in_dim3A_644 = vector.broadcast %jit3A_641 : f32 to vector<64x240xf32>
    %select_n3A_645 = arith.select %broadcast_in_dim3A_643, %slice3A_640, %broadcast_in_dim3A_644 : vector<64x240xi1>, vector<64x240xf32>
    %swap3A_646 = arith.constant 0 : index
    %swap3A_647 = arith.constant 0 : index
    %swap3A_648 = arith.constant 15 : index
    %swap3A_649 = arith.constant 256 : index
    %swap3A_650 = vector.load %arg4[%swap3A_646, %swap3A_647, %swap3A_648, %swap3A_649] : memref<1x64x16x496xf32, #tpu.memory_space<vmem>>, vector<1x64x1x240xf32>
    %swap3A_651 = vector.shape_cast %swap3A_650 : vector<1x64x1x240xf32> to vector<64x240xf32>
    %swap3A_652 = vector.shape_cast %select_n3A_645 : vector<64x240xf32> to vector<1x64x1x240xf32>
    tpu.vector_store %arg4[%swap3A_646, %swap3A_647, %swap3A_648, %swap3A_649], %swap3A_652 {strides = array<i32>} : memref<1x64x16x496xf32, #tpu.memory_space<vmem>>, vector<1x64x1x240xf32>,
    return
  }
  func.func @transform_0(%arg0: i32, %arg1: i32) -> (i32, i32) {
    %mul3A = arith.constant 27 : i32
    %mul3A_0 = arith.muli %arg0, %mul3A : i32
    %add3A = arith.addi %mul3A_0, %arg1 : i32
    %c0_i32 = arith.constant 0 : i32
    %c0_i32_1 = arith.constant 0 : i32
    return %add3A, %c0_i32 : i32, i32
  }
  func.func @transform_1(%arg0: i32, %arg1: i32) -> (i32, i32, i32) {
    %mul3A = arith.constant 27 : i32
    %mul3A_0 = arith.muli %arg0, %mul3A : i32
    %add3A = arith.addi %mul3A_0, %arg1 : i32
    %c0_i32 = arith.constant 0 : i32
    %c0_i32_1 = arith.constant 0 : i32
    %c0_i32_2 = arith.constant 0 : i32
    return %add3A, %c0_i32, %c0_i32_1 : i32, i32, i32
  }
  func.func @transform_2(%arg0: i32, %arg1: i32) -> (i32, i32, i32, i32) {
    %c0_i32 = arith.constant 0 : i32
    %c0_i32_0 = arith.constant 0 : i32
    %c0_i32_1 = arith.constant 0 : i32
    return %arg0, %c0_i32, %arg1, %c0_i32_0 : i32, i32, i32, i32
  }
}

</mosaic_0001>

<sc_bundles>
// kernel: kernel.12.cloned.1.call-start
scs
__scs_entry_jumppad:
0x0: {  	(pc) =	sbr.rel $0x88, $3  }
0x1: {  	(tag) =	ssettag $0x0;
	lr =	simm.s32 $0x1  }
0x2: {  	[smem:$0x3F9F] =	sst lr;
	_ =	strace $0xD0000000  }
0x3: {  	_ = 	snop  }
0x4: {  	_ = 	snop  }
0x5: {  	_ = 	snop  }
0x6: {  	_ = 	snop  }
0x7: {  	_ = 	snop  }
__scs_overlays_trampoline_lowered:
0x8: {  	[smem:$0x3FAE] =	sst s0  }
0x9: {  	[smem:$0x3FAF] =	sst s1  }
0xa: {  	[smem:$0x3FB0] =	sst s2  }
0xb: {  	[smem:$0x3FB1] =	sst s3  }
0xc: {  	[smem:$0x3FB2] =	sst s4  }
0xd: {  	[smem:$0x3FB3] =	sst s5  }
0xe: {  	[smem:$0x3FB4] =	sst s6  }
0xf: {  	[smem:$0x3FB5] =	sst s7  }
0x10: {  	[smem:$0x3FB6] =	sst s8  }
0x11: {  	[smem:$0x3FB7] =	sst s9;
	s0 =	simm.s32 @!p0 $0x0  }
0x12: {  	s1 =	sld [smem:$0x3F9D];
	s0 =	simm.s32 @p0 $0x1  }
0x13: {  	[smem:$0x3FB8] =	sst s0;
	s0 =	simm.s32 @!p1 $0x0  }
0x14: {  	s2 =	sld [smem:$0x3F9C];
	s0 =	simm.s32 @p1 $0x1  }
0x15: {  	[smem:$0x3FB9] =	sst s0;
	s0 =	simm.s32 @!p2 $0x0  }
0x16: {  	s3 =	sld [smem:$0x3FDB];
	s0 =	simm.s32 @p2 $0x1  }
0x17: {  	s4 =	simm.s32 $0x1BF5;
	[smem:$0x3FBB] =	sst s0  }
0x18: {  	s0 =	sld [smem:$0x3F9E];
	_ =	swait.ge [sflag:s4], $0x0  }
0x19: {  	s7 =	sld [smem:$0x3F9F]  }
0x1a: {  	s8 =	sadd.s32 $0xFFFFE003, lr  }
0x1b: {  	s9 =	sadd.s32 $0xFFFFFEF7, lr;
	s5 =	simm.s32 $0xFFFFFFFF;
	p2 =	slt.u32 s8, $0xFFFFF086  }
0x1c: {  	p1 =	slt.u32 s9, $0xF7A;
	s5 =	simm.s32 @!p2 $0x0  }
0x1d: {  	s5 =	simm.s32 @p1 $0x1;
	p0 =	seq.s32 s7, s2  }
0x1e: {  	s7 =	smul.u32 @!p0 $0xF7A, s2;
	p2 =	seq.s32 @!p0 s5, $0x0  }
0x1f: {  	s9 =	smul.u32 $0xF7A, s1;
	s8 =	simm.s32 @!p0 $0x1BF5;
	p2 =	por !p2, p0  }
0x20: {  	[sflag:s8] =	ssyncset.s32 @!p0 $0xFFFFF086;
	s6 =	sadd.s32 @!p0 s3, s7;
	s7 =	simm.s32 @!p0 $0x108  }
0x21: {  	s3 =	sadd.s32 s3, s9;
	s6 =	sadd.s32 @!p0 $0x88, s6;
	s7 =	simm.s32 @p2 $0x1082  }
0x22: {  	[simem:s7], [sflag:s8] =	dma.local @!p0 [hbm:s6], $0xF7A  }
0x23: {  	s9 =	sor.u32 $0xD0000000, s2;
	s6 =	simm.s32 $0x108;
	_ =	swait.ge @!p0 [sflag:s8], $0x0  }
0x24: {  	s3 =	sadd.s32 $0x88, s3;
	s6 =	simm.s32 @!p1 $0x1082;
	[sflag:s4] =	ssyncset.s32 $0xFFFFF086  }
0x25: {  	[simem:s6], [sflag:s4] =	dma.local [hbm:s3], $0xF7A  }
0x26: {  	[smem:$0x3F9F] =	sst s1;
	(tag) =	ssettag s2;
	_ =	strace s9  }
0x27: {  	s1 =	sld [smem:$0x3FAF]  }
0x28: {  	s2 =	sld [smem:$0x3FB0]  }
0x29: {  	s4 =	sld [smem:$0x3FB2]  }
0x2a: {  	p0 =	seq.s32 s5, $0x0;
	s5 =	sld [smem:$0x3FB3]  }
0x2b: {  	s6 =	sld [smem:$0x3FB4]  }
0x2c: {  	s7 =	sld [smem:$0x3FB5]  }
0x2d: {  	s3 =	simm.s32 $0x108;
	s8 =	sld [smem:$0x3FB6]  }
0x2e: {  	s3 =	simm.s32 @!p0 $0x1082;
	s9 =	sld [smem:$0x3FB7]  }
0x2f: {  	lr =	sadd.s32 s0, s3;
	s0 =	sld [smem:$0x3FAE]  }
0x30: {  	s3 =	sld [smem:$0x3FB1]  }
0x31: {  	[smem:$0x3FBA] =	sst s10  }
0x32: {  	s10 =	sld [smem:$0x3FB8];
	_ =	sdelay $0x3  }
0x33: {  	p0 =	seq.s32 s10, $0x1;
	s10 =	sld [smem:$0x3FBA];
	_ =	sdelay $0x3  }
0x34: {  	[smem:$0x3FBA] =	sst s10  }
0x35: {  	s10 =	sld [smem:$0x3FB9];
	_ =	sdelay $0x3  }
0x36: {  	p1 =	seq.s32 s10, $0x1;
	s10 =	sld [smem:$0x3FBA];
	_ =	sdelay $0x3  }
0x37: {  	[smem:$0x3FBA] =	sst s10  }
0x38: {  	s10 =	sld [smem:$0x3FBB]  }
0x39: {  	_ = 	snop;
	(pc) =	sbr.ind lr, $3  }
0x3a: {  	_ = 	snop  }
0x3b: {  	_ = 	snop  }
0x3c: {  	p2 =	seq.s32 s10, $0x1;
	s10 =	sld [smem:$0x3FBA]  }
0x3d: {  	_ =	shalt  }
0x3e: {  	_ =	shalt  }
0x3f: {  	_ =	shalt  }
0x40: {  	_ =	shalt  }
0x41: {  	_ =	shalt  }
0x42: {  	_ =	shalt  }
0x43: {  	_ =	shalt  }
0x44: {  	_ =	shalt  }
0x45: {  	_ =	shalt  }
0x46: {  	_ =	shalt  }
0x47: {  	_ =	shalt  }
0x48: {  	_ =	shalt  }
0x49: {  	_ =	shalt  }
0x4a: {  	_ =	shalt  }
0x4b: {  	_ =	shalt  }
0x4c: {  	_ =	shalt  }
0x4d: {  	_ =	shalt  }
0x4e: {  	_ =	shalt  }
0x4f: {  	_ =	shalt  }
0x50: {  	_ =	shalt  }
0x51: {  	_ =	shalt  }
0x52: {  	_ =	shalt  }
0x53: {  	_ =	shalt  }
0x54: {  	_ =	shalt  }
0x55: {  	_ =	shalt  }
0x56: {  	_ =	shalt  }
0x57: {  	_ =	shalt  }
0x58: {  	_ =	shalt  }
0x59: {  	_ =	shalt  }
0x5a: {  	_ =	shalt  }
0x5b: {  	_ =	shalt  }
0x5c: {  	_ =	shalt  }
0x5d: {  	_ =	shalt  }
0x5e: {  	_ =	shalt  }
0x5f: {  	_ =	shalt  }
0x60: {  	_ =	shalt  }
0x61: {  	_ =	shalt  }
0x62: {  	_ =	shalt  }
0x63: {  	_ =	shalt  }
0x64: {  	_ =	shalt  }
0x65: {  	_ =	shalt  }
0x66: {  	_ =	shalt  }
0x67: {  	_ =	shalt  }
0x68: {  	_ =	shalt  }
0x69: {  	_ =	shalt  }
0x6a: {  	_ =	shalt  }
0x6b: {  	_ =	shalt  }
0x6c: {  	_ =	shalt  }
0x6d: {  	_ =	shalt  }
0x6e: {  	_ =	shalt  }
0x6f: {  	_ =	shalt  }
0x70: {  	_ =	shalt  }
0x71: {  	_ =	shalt  }
0x72: {  	_ =	shalt  }
0x73: {  	_ =	shalt  }
0x74: {  	_ =	shalt  }
0x75: {  	_ =	shalt  }
0x76: {  	_ =	shalt  }
0x77: {  	_ =	shalt  }
0x78: {  	_ =	shalt  }
0x79: {  	_ =	shalt  }
0x7a: {  	_ =	shalt  }
0x7b: {  	_ =	shalt  }
0x7c: {  	_ =	shalt  }
0x7d: {  	_ =	shalt  }
0x7e: {  	_ =	shalt  }
0x7f: {  	_ =	shalt  }
0x80: {  	_ =	shalt  }
0x81: {  	_ =	shalt  }
0x82: {  	_ =	shalt  }
0x83: {  	_ =	shalt  }
0x84: {  	_ =	shalt  }
0x85: {  	_ =	shalt  }
0x86: {  	_ =	shalt  }
0x87: {  	_ =	shalt  }
.Lfunc_end0:
.L_simem_size_0:
called_computation.2_lowered:
.L_overlay_start_0:
0x88: {  	s2 =	sld [smem:$0x3FD9]  }
0x89: {  	s3 =	sld [smem:$0x3FFE];
	_ =	sdelay $0x1  }
0x8a: {  	s1 =	srdreg.scid  }
0x8b: {  	s0 =	sand.u32 $0x1, s1  }
0x8c: {  	s16 =	sshll.u32 s0, $0xA;
	s2 =	sadd.s32 s3, s2  }
0x8d: {  	s2 =	sadd.s32 s2, s16  }
0x8e: {  	[smem:$0x3FC6] =	sst s2  }
0x8f: {  	_ = 	snop  }
0x90: {  	(tm) =	ssettm $0x1  }
0x91: {  	s17 =	sld [smem:$0x3FFB];
	_ =	sdelay $0x3  }
0x92: {  	_ =	strace s17  }
0x93: {  	s2 =	sld [smem:$0x3FFC];
	_ =	sdelay $0x3  }
0x94: {  	_ =	strace s2  }
0x95: {  	s2 =	sld [smem:$0x3FFD];
	_ =	sdelay $0x3  }
0x96: {  	_ =	strace s2  }
0x97: {  	_ =	strace $0x8FFFFFFF  }
0x98: {  	s18 =	sld [smem:$0x3FDB];
	_ =	sdelay $0x1  }
0x99: {  	s19 =	simm.s32 $_scs_section_size  }
0x9a: {  	s4 =	simm.s32 $_size__tile_overlayer_lowered;
	s5 =	simm.s32 $_tile_overlayer_lowered  }
0x9b: {  	s22 =	simm.s32 $0x1BFF;
	s21 =	sshll.u32 s5, $0x1;
	s2 =	sadd.s32 s19, s18  }
0x9c: {  	s6 =	simm.s32 $0x0;
	s20 =	sshll.u32 s4, $0x1;
	s4 =	sadd.s32 s21, s2  }
0x9d: {  	[timem:s6], [sflag:s22] =	dma.local [hbm:s4], s20  }
0x9e: {  	_ =	swait.ge [sflag:s22], s20  }
0x9f: {  	s3 =	ssub.s32 $0x0, s20;
	[sflag:s22] =	ssyncset.done $0x0  }
0xa0: {  	[sflag:s22] =	ssyncadd.s32 s3;
	_ =	sdelay $0x1  }
0xa1: {  	s23 =	simm.s32 $0x1B8B  }
0xa2: {  	_ =	swait.ge [sflag:s23], $0x1  }
0xa3: {  	[sflag:s23] =	ssyncset.done $0x0  }
0xa4: {  	s25 =	simm.s32 $0x1B8E;
	s24 =	sld [smem:$0x3FFE];
	[sflag:s23] =	ssyncadd.s32 $0xFFFFFFFF  }
0xa5: {  	s26 =	simm.s32 $execute0_lowered;
	[smem:$0x3FD2] =	sst s25  }
0xa6: {  	s4 =	sshll.u32 s26, $0x1;
	_ =	strace $0x8000004C;
	[dreg:$0x1] =	wrdreg $0xFFFFFFFF  }
0xa7: {  	s28 =	simm.s32 $_size_execute0_lowered;
	s2 =	sadd.s32 s2, s4;
	[dreg:$0x0] =	wrdreg $0x0  }
0xa8: {  	s4 =	sshll.u32 s28, $0x1;
	[dreg:$0x2] =	wrdreg s2  }
0xa9: {  	[dreg:$0x3] =	wrdreg s4  }
0xaa: {  	[dreg:$0x4] =	wrdreg $0xC0  }
0xab: {  	_ =	task [dreg:s6], $0x5FFFF  }
0xac: {  	[dreg:$0x1] =	wrdreg $0xFFFFFFFF  }
0xad: {  	[dreg:$0x0] =	wrdreg $0x60  }
0xae: {  	[dreg:$0x2] =	wrdreg s24  }
0xaf: {  	[dreg:$0x3] =	wrdreg $0x9  }
0xb0: {  	_ =	task.clear_ibuf [dreg:s6], $0x4FFFF;
	_ =	strace $0x9000004C  }
0xb1: {  	s29 =	simm.s32 $0x9;
	_ =	strace $0x8000004E  }
0xb2: {  	_ =	swait.ge [sflag:s29], $0x1  }
0xb3: {  	[sflag:s29] =	ssyncadd.s32 $0xFFFFFFFF  }
0xb4: {  	_ =	strace $0x9000004E  }
0xb5: {  	_ =	sfence  }
0xb6: {  	s30 =	sld [smem:$0x0];
	_ =	sdelay $0x2  }
0xb7: {  	s31 =	sshll.u32 s1, $0xD;
	s1 =	sshrl.u32 s1, $0x2  }
0xb8: {  	s3 =	sand.u32 $0x4000, s31;
	s1 =	sadd.s32 s1, s30  }
0xb9: {  	s0 =	sor.u32 s3, s0;
	s1 =	sshll.u32 s1, $0x11  }
0xba: {  	s0 =	sor.u32 s1, s0  }
0xbb: {  	s0 =	sadd.s32 $0x8F2B, s0  }
0xbc: {  	[sflag:s0] =	ssyncadd.remote.s32 $0x1  }
0xbd: {  	_ =	sfence.sel $0xFFFF  }
0xbe: {  	[dreg:$0x0] =	wrdreg $0xFFFFFFFF;
	(pc) =	sbr.abs _section_cstart, $3  }
0xbf: {  	[dreg:$0x1] =	wrdreg $0xFFFFFFFF  }
0xc0: {  	_ =	task.clear_ibuf [dreg:s6], $0x2FFFF;
	_ =	strace $0x9FFFFFFF  }
0xc1: {  	(tm) =	ssettm $0x7FFFFFFF  }
tec
execute0_lowered:
.L_overlay_start_1:
0x0: {  	(tag) =	ssettag $0x1  }
0x1: {  	s1 =	srdreg.scid;
	s0 =	stileid.u32  }
0x2: {  	s5 =	rddreg [dreg:$0x0];
	s2 =	simm.s32 $0x0;
	s12 =	simm.s32 $0x1400  }
0x3: {  	s11 =	simm.s32 $0x1;
	s31 =	simm.s32 $0x1E00;
	s3 =	sand.u32 $0x1, s1  }
0x4: {  	s4 =	smul.u32 $0x50000, s0;
	s7 =	sshll.u32 s0, $0x1;
	[smem:$0x7FF] =	sst s2  }
0x5: {  	s1 =	simm.s32 $0x0;
	s6 =	smul.u32 $0x28000, s3;
	s7 =	sor.u32 s3, s7  }
0x6: {  	_ =	strace $0x8000004D;
	s8 =	ssub.s32 $0x2, s3;
	[dreg:$0x2] =	wrdreg s12  }
0x7: {  	s3 =	sadd.s32 $0x3600, s5;
	[dreg:$0x3] =	wrdreg s31;
	s24 =	smul.u32 $0x9D0, s7  }
0x8: {  	v2 =	vimm.s32 $0xECA86420;
	s12 =	simm.s32 $0x2800;
	s10 =	sshrl.u32 s8, $0x1;
	s4 =	sadd.s32 s6, s4  }
0x9: {  	v1 =	vlaneseq.u32;
	vm0 =	vcmask $0xB08;
	vm1 =	vcmask $0x1310;
	s8 =	ssub.s32 s8, s10;
	s10 =	simm.s32 $0x80;
	s26 =	sshrl.u32 s24, $0x3  }
0xa: {  	vm2 =	vcmask $0x1B18;
	vm3 =	vcmask $0x300;
	vm4 =	vcmask $0x2320;
	s4 =	sshrl.u32 s4, $0x3;
	s29 =	smax.u32 s8, $0x1;
	s9 =	sadd.s32 s26, s5  }
0xb: {  	vm5 =	vcmask $0x2B28;
	vm6 =	vcmask $0x3330;
	v3 =	vunpack.c.l.s4.s8 v2;
	s25 =	sadd.s32 s4, s5;
	[dreg:$0x5] =	wrdreg s29;
	s28 =	sadd.s32 $0xE00, s9  }
0xc: {  	vm7 =	vcmask $0x3B38;
	vm8 =	vmmov $0xff;
	v2 =	vimm.s32 $0x0;
	s8 =	simm.s32 $0x2;
	s30 =	sadd.s32 $0x1DA00, s25;
	[dreg:$0x4] =	wrdreg s28  }
0xd: {  	v4 =	vmul.u32 $0x2, v1;
	v3 =	vunpack.c.0.s8.s32 v3;
	v0 =	vmov s24;
	s4 =	sadd.s32 $0xBDA00, s5;
	s9 =	simm.s32 $0xA00;
	[dreg:$0x6] =	wrdreg s30  }
.LBB2_1:
0xe: {  	v5 =	vor.u32 s2, v1  }
0xf: {  	v7 =	vmov s2;
	v6 =	vand.u32 $0x7F, v5  }
0x10: {  	s0 =	rddreg [dreg:$0x4];
	vm9 =	veq.s32 v7, v1;
	vm10 =	vne.s32 v6, $0x0  }
0x11: {  	[tilespmem:s2], [sflag:$0x2] =	stream.linear.gather [hbm4b:s0+s2], $0x9D0, $0x38;
	vm9 =	vmand vm9, vm10;
	[tilespmem:$0x4800] =	vst v63  }
0x12: {  	_ =	swait.ge [sflag:s8], $0x9D0;
	v7 =	vsel vm9, $0xFFFFFFFF, v2  }
0x13: {  	[sflag:s8] =	ssyncset.done $0x0;
	v7 =	vshll.u32 v7, $0x7  }
0x14: {  	s14 =	simm.s32 $0x10;
	[sflag:s8] =	ssyncadd.s32 $0xFFFFF630;
	v9 =	vadd.s32 s2, v7  }
0x15: {  	s16 =	simm.s32 $0x20;
	s15 =	simm.s32 $0x0;
	v8 =	vld [tilespmem:s2+$0x0];
	v7 =	vor.u32 s14, v1;
	v9 =	vand.u32 $0xFFFFFF80, v9  }
.LBB2_2:
0x16: {  	p0 =	sne.s32 s16, $0x9F0;
	v10 =	vmov s14;
	v9 =	vor.u32 v6, v9;
	v6 =	vand.u32 $0x7F, v7  }
0x17: {  	vm9 =	veq.s32 v10, v1;
	vm10 =	vne.s32 v6, $0x0  }
.Ltmp0:
0x18: {  	vm9 =	vmand vm9, vm10;
	(pc) =	sbr.rel @p0 .LBB2_2-.Ltmp0, $4  }
0x19: {  	v10 =	vsel vm9, $0xFFFFFFFF, v2;
	vm9 =	vlt.u32 v5, $0x9C4;
	v5 =	vmov v7  }
0x1a: {  	v7 =	vshll.u32 v10, $0x7;
	v8 =	vnsel vm9, $0x0, v8  }
0x1b: {  	s15 =	sadd.s32 $0x10, s15;
	v10 =	vadd.s32 s14, v7;
	[tilespmem:v9+s9+$0x0] =	vst.idx.msk $0xffff, v8;
	s14 =	smov.u32 s16  }
0x1c: {  	s16 =	sadd.s32 $0x10, s16;
	v7 =	vor.u32 s14, v1;
	v8 =	vld [tilespmem:s15+$0x0];
	v9 =	vand.u32 $0xFFFFFF80, v10  }
0x1d: {  	v10 =	vmov s14;
	v11 =	vand.u32 $0x7F, v7;
	v6 =	vor.u32 v6, v9  }
0x1e: {  	vm9 =	veq.s32 v10, v1;
	vm10 =	vne.s32 v11, $0x0  }
0x1f: {  	vm9 =	vmand vm9, vm10  }
0x20: {  	v63 =	vsel vm9, $0xFFFFFFFF, v2;
	vm9 =	vlt.u32 v5, $0x9C4  }
0x21: {  	v5 =	vshll.u32 v63, $0x7;
	v8 =	vnsel vm9, $0x0, v8  }
0x22: {  	s29 =	sadd.s32 $0x10, s15;
	v5 =	vadd.s32 s14, v5;
	[tilespmem:v6+s9+$0x0] =	vst.idx.msk $0xffff, v8  }
0x23: {  	v6 =	vld [tilespmem:s29+$0x0];
	v5 =	vand.u32 $0xFFFFFF80, v5  }
0x24: {  	v5 =	vor.u32 v11, v5;
	_ =	sdelay $0x2  }
0x25: {  	vm9 =	vlt.u32 v7, $0x9C4  }
0x26: {  	v6 =	vnsel vm9, $0x0, v6  }
0x27: {  	[dreg:$0x7] =	wrdreg s1;
	s30 =	simm.s32 $0x1400;
	s31 =	simm.s32 $0xA00;
	[tilespmem:v5+s9+$0x0] =	vst.idx.msk $0xffff, v6  }
0x28: {  	[tilespmem:s30], [sflag:$0x1] =	stream.indirect.gather [hbm4b:s3+s10], $0x1, s31, s10, $0xb8;
	[tilespmem:$0x4800] =	vst v63  }
0x29: {  	s0 =	simm.s32 $0x0;
	s15 =	simm.s32 $0x200;
	_ =	swait.ge [sflag:s11], $0x80  }
.LBB2_4:
0x2a: {  	s16 =	sshra.s32 s15, $0x2  }
0x2b: {  	[sflag:s11] =	ssyncset.done $0x0;
	p0 =	sne.s32 s15, $0x2600;
	s17 =	sadd.s32 $0x1400, s16  }
.Ltmp1:
0x2c: {  	s16 =	sadd.s32 $0xA00, s16;
	[sflag:s11] =	ssyncadd.s32 $0xFFFFFF80;
	(pc) =	sbr.rel @p0 .LBB2_4-.Ltmp1, $3  }
0x2d: {  	[tilespmem:s17], [sflag:$0x1] =	stream.indirect.gather [hbm4b:s3+s10], $0x1, s16, s10, $0xb8;
	[tilespmem:$0x4800] =	vst v63  }
0x2e: {  	s15 =	sadd.s32 $0x200, s15;
	_ =	sdelay $0x1  }
0x2f: {  	_ =	swait.ge [sflag:s11], $0x80  }
0x30: {  	[sflag:s11] =	ssyncset.done $0x0  }
0x31: {  	s1 =	simm.s32 $0x0;
	[sflag:s11] =	ssyncadd.s32 $0xFFFFFF80  }
.LBB2_6:
0x32: {  	v6 =	vld [tilespmem:s0+$0x0];
	_ =	sdelay $0x4  }
0x33: {  	(v2sf) =	vpush v6, $0xD;
	_ =	sdelay $0x1  }
0x34: {  	(v2sf) =	vpush v6, $0xC;
	_ =	sdelay $0x1  }
0x35: {  	(v2sf) =	vpush v6, $0xE;
	_ =	sdelay $0x1  }
0x36: {  	(v2sf) =	vpush v6, $0xF  }
0x37: {  	(v2sf) =	vpush v6, $0x9;
	_ =	sdelay $0x2  }
0x38: {  	(v2sf) =	vpush v6, $0x8;
	_ =	sdelay $0x1  }
0x39: {  	(v2sf) =	vpush v6, $0xA;
	_ =	sdelay $0x1  }
0x3a: {  	(v2sf) =	vpush v6, $0xB  }
0x3b: {  	s16 =	spop (v2sf)  }
0x3c: {  	(v2sf) =	vpush v6, $0x0;
	s17 =	smulhi.u32 $0x13931DAB, s16;
	s16 =	sshra.s32 s16, $0x1F  }
0x3d: {  	s18 =	spop (v2sf);
	s16 =	smul.u32 $0x13931DAB, s16  }
0x3e: {  	[dreg:$0x9] =	wrdreg s1;
	(v2sf) =	vpush v6, $0x1;
	s19 =	smulhi.u32 $0x13931DAB, s18;
	s18 =	sshra.s32 s18, $0x1F  }
0x3f: {  	s20 =	spop (v2sf);
	s18 =	smul.u32 $0x13931DAB, s18  }
0x40: {  	[dreg:$0x8] =	wrdreg s0;
	(v2sf) =	vpush v6, $0x2;
	s21 =	smulhi.u32 $0x13931DAB, s20;
	s20 =	sshra.s32 s20, $0x1F  }
0x41: {  	s5 =	spop (v2sf);
	s31 =	sadd.s32 s16, s17;
	s1 =	smul.u32 $0x13931DAB, s20  }
0x42: {  	(v2sf) =	vpush v6, $0x3;
	s22 =	smulhi.u32 $0x13931DAB, s5;
	s20 =	sshra.s32 s5, $0x1F;
	s7 =	spop (v2sf)  }
0x43: {  	[dreg:$0xa] =	wrdreg s31;
	s6 =	smul.u32 $0x13931DAB, s20  }
0x44: {  	(v2sf) =	vpush v6, $0x4;
	s16 =	sshrl.u32 s31, $0x1F;
	s23 =	smulhi.u32 $0x13931DAB, s7;
	s20 =	sshra.s32 s7, $0x1F  }
0x45: {  	s19 =	sadd.s32 s18, s19;
	s13 =	spop (v2sf);
	s20 =	smul.u32 $0x13931DAB, s20  }
0x46: {  	s17 =	sadd.s32 s1, s21;
	s28 =	smulhi.u32 $0x13931DAB, s13;
	s21 =	sshra.s32 s13, $0x1F  }
0x47: {  	s25 =	sshrl.u32 s19, $0x1F;
	s14 =	spop (v2sf);
	(v2sf) =	vpush v6, $0x5;
	s21 =	smul.u32 $0x13931DAB, s21  }
0x48: {  	s18 =	sadd.s32 s6, s22;
	s30 =	smulhi.u32 $0x13931DAB, s14;
	s22 =	sshra.s32 s14, $0x1F  }
0x49: {  	s26 =	sshrl.u32 s17, $0x1F;
	s15 =	spop (v2sf);
	(v2sf) =	vpush v6, $0x6;
	s22 =	smul.u32 $0x13931DAB, s22  }
0x4a: {  	s29 =	sshrl.u32 s18, $0x1F;
	s24 =	smulhi.u32 $0x13931DAB, s15;
	s13 =	sshra.s32 s15, $0x1F  }
0x4b: {  	s20 =	sadd.s32 s20, s23;
	s14 =	spop (v2sf);
	(v2sf) =	vpush v6, $0x7;
	s0 =	smul.u32 $0x13931DAB, s13  }
0x4c: {  	s31 =	sshrl.u32 s20, $0x1F;
	s5 =	smulhi.u32 $0x13931DAB, s14;
	s6 =	sshra.s32 s14, $0x1F  }
0x4d: {  	s23 =	sadd.s32 s21, s28;
	s6 =	smul.u32 $0x13931DAB, s6;
	s15 =	spop (v2sf)  }
0x4e: {  	s21 =	sadd.s32 s22, s30;
	s7 =	smulhi.u32 $0x13931DAB, s15;
	s13 =	sshra.s32 s15, $0x1F  }
0x4f: {  	s22 =	sadd.s32 s0, s24;
	s24 =	spop (v2sf);
	s0 =	smul.u32 $0x13931DAB, s13  }
0x50: {  	s28 =	sshrl.u32 s23, $0x1F;
	s14 =	smulhi.u32 $0x13931DAB, s24;
	s1 =	sshra.s32 s24, $0x1F  }
0x51: {  	s5 =	sadd.s32 s6, s5;
	s6 =	spop (v2sf);
	s1 =	smul.u32 $0x13931DAB, s1  }
0x52: {  	v5 =	vmov s25;
	s30 =	sshrl.u32 s21, $0x1F;
	s24 =	smulhi.u32 $0x13931DAB, s6;
	s6 =	sshra.s32 s6, $0x1F  }
0x53: {  	v5 =	vsel vm0, s16, v5;
	s25 =	spop (v2sf);
	s0 =	sadd.s32 s0, s7;
	s6 =	smul.u32 $0x13931DAB, s6  }
0x54: {  	v5 =	vsel vm1, s26, v5;
	s7 =	sshra.s32 s25, $0x1F;
	s1 =	sadd.s32 s1, s14;
	s14 =	smulhi.u32 $0x13931DAB, s25  }
0x55: {  	v10 =	vmov s19;
	v5 =	vsel vm2, s29, v5;
	s15 =	sshrl.u32 s5, $0x1F;
	s16 =	sshrl.u32 s0, $0x1F;
	s7 =	smul.u32 $0x13931DAB, s7  }
0x56: {  	v11 =	vmov s23;
	v8 =	vmov s28;
	v7 =	vmov s15;
	s26 =	spop (v2sf);
	s6 =	sadd.s32 s6, s24;
	s24 =	sshrl.u32 s1, $0x1F  }
0x57: {  	v8 =	vsel vm0, s31, v8;
	v9 =	vmov s5;
	v7 =	vnsel vm3, $0x0, v7;
	s28 =	sshra.s32 s26, $0x1F;
	s7 =	sadd.s32 s7, s14;
	s14 =	smulhi.u32 $0x13931DAB, s26  }
0x58: {  	v8 =	vsel vm1, s30, v8;
	v9 =	vnsel vm3, $0x0, v9;
	v7 =	vsel vm0, s16, v7;
	s30 =	spop (v2sf);
	s25 =	sshrl.u32 s6, $0x1F;
	s15 =	smul.u32 $0x13931DAB, s28  }
0x59: {  	v11 =	vsel vm0, s20, v11;
	v9 =	vsel vm0, s0, v9;
	v7 =	vsel vm1, s24, v7;
	s31 =	smulhi.u32 $0x13931DAB, s30;
	s16 =	sshra.s32 s30, $0x1F;
	s28 =	rddreg [dreg:$0xa]  }
0x5a: {  	v11 =	vsel vm1, s21, v11;
	s13 =	sshrl.u32 s22, $0x1F;
	v9 =	vsel vm1, s1, v9;
	v7 =	vsel vm2, s25, v7;
	s24 =	smul.u32 $0x13931DAB, s16;
	s25 =	spop (v2sf)  }
0x5b: {  	v8 =	vsel vm2, s13, v8;
	v9 =	vsel vm2, s6, v9;
	s29 =	sshrl.u32 s7, $0x1F;
	v10 =	vsel vm0, s28, v10;
	s26 =	smulhi.u32 $0x13931DAB, s25;
	s13 =	sshra.s32 s25, $0x1F  }
0x5c: {  	v9 =	vsel vm4, s7, v9;
	v7 =	vsel vm4, s29, v7;
	s29 =	sadd.s32 s15, s14;
	v10 =	vsel vm1, s17, v10;
	s13 =	smul.u32 $0x13931DAB, s13  }
0x5d: {  	v11 =	vsel vm2, s22, v11;
	s30 =	sshrl.u32 s29, $0x1F;
	s0 =	sadd.s32 s24, s31;
	v10 =	vsel vm2, s18, v10;
	v9 =	vsel vm5, s29, v9  }
0x5e: {  	v7 =	vsel vm5, s30, v7;
	s5 =	sshrl.u32 s0, $0x1F;
	v10 =	vcombine.low v11, v10;
	v9 =	vsel vm6, s0, v9;
	s1 =	sadd.s32 s13, s26  }
0x5f: {  	v5 =	vcombine.low v8, v5;
	v7 =	vsel vm6, s5, v7;
	s31 =	sshrl.u32 s1, $0x1F;
	v50 =	vsel vm7, s1, v9  }
0x60: {  	v51 =	vperm.xlane v10, v3;
	v7 =	vsel vm7, s31, v7;
	v8 =	vperm.xlane v50, v4  }
0x61: {  	v5 =	vperm.xlane v5, v3;
	v7 =	vperm.xlane v7, v4  }
0x62: {  	v8 =	vsel vm8, v8, v51  }
0x63: {  	v5 =	vsel vm8, v7, v5;
	v7 =	vshra.s32 v8, $0xE  }
0x64: {  	v5 =	vadd.s32 v5, v7  }
0x65: {  	v7 =	vmul.u32 $0xFFFCBB00, v5  }
0x66: {  	v52 =	vsub.s32 $0x0, v6  }
0x67: {  	vm9 =	vlt.s32 v6, $0x1;
	vm10 =	vne.s32 v7, v52  }
0x68: {  	vm9 =	vmand vm9, vm10  }
0x69: {  	v7 =	vsel vm9, $0xFFFFFFFF, v2  }
0x6a: {  	v5 =	vadd.s32 v7, v5  }
0x6b: {  	v7 =	vmul.u32 $0xFFFCBB00, v5;
	_ =	sdelay $0x1  }
0x6c: {  	v6 =	vadd.s32 v6, v7  }
0x6d: {  	(v2sf) =	vpush v6, $0xD;
	_ =	sdelay $0x1  }
0x6e: {  	(v2sf) =	vpush v6, $0xC;
	_ =	sdelay $0x1  }
0x6f: {  	(v2sf) =	vpush v6, $0xE  }
0x70: {  	(v2sf) =	vpush v6, $0xF  }
0x71: {  	(v2sf) =	vpush v6, $0x9;
	_ =	sdelay $0x1  }
0x72: {  	(v2sf) =	vpush v6, $0x8;
	_ =	sdelay $0x1  }
0x73: {  	(v2sf) =	vpush v6, $0xA;
	_ =	sdelay $0x1  }
0x74: {  	(v2sf) =	vpush v6, $0xB;
	_ =	sdelay $0x1  }
0x75: {  	(v2sf) =	vpush v6, $0x1  }
0x76: {  	(v2sf) =	vpush v6, $0x0;
	s1 =	spop (v2sf)  }
0x77: {  	s6 =	smulhi.u32 $0x84210843, s1;
	s7 =	sshra.s32 s1, $0x1F  }
0x78: {  	s13 =	spop (v2sf);
	s5 =	smul.u32 $0x84210843, s7  }
0x79: {  	s19 =	smulhi.u32 $0x84210843, s13;
	s22 =	sshra.s32 s13, $0x1F  }
0x7a: {  	s17 =	spop (v2sf);
	s14 =	smul.u32 $0x84210843, s22  }
0x7b: {  	(v2sf) =	vpush v6, $0x2;
	s15 =	spop (v2sf);
	s23 =	smulhi.u32 $0x84210843, s17;
	s28 =	sshra.s32 s17, $0x1F  }
0x7c: {  	s0 =	ssub.s32 s6, s1;
	s20 =	spop (v2sf);
	s18 =	smul.u32 $0x84210843, s28  }
0x7d: {  	(v2sf) =	vpush v6, $0x3;
	s29 =	smulhi.u32 $0x84210843, s15;
	s24 =	sshra.s32 s15, $0x1F;
	s16 =	sadd.s32 s5, s0  }
0x7e: {  	s25 =	ssub.s32 s19, s13;
	s21 =	spop (v2sf);
	s26 =	smul.u32 $0x84210843, s24  }
0x7f: {  	(v2sf) =	vpush v6, $0x4;
	s30 =	smulhi.u32 $0x84210843, s20;
	s31 =	sshra.s32 s20, $0x1F;
	s19 =	sadd.s32 s14, s25  }
0x80: {  	s7 =	ssub.s32 s23, s17;
	s22 =	spop (v2sf);
	s13 =	smul.u32 $0x84210843, s31  }
0x81: {  	(v2sf) =	vpush v6, $0x5;
	s28 =	smulhi.u32 $0x84210843, s21;
	s31 =	sshra.s32 s21, $0x1F;
	s17 =	sadd.s32 s18, s7  }
0x82: {  	s1 =	ssub.s32 s29, s15;
	s23 =	spop (v2sf);
	s14 =	smul.u32 $0x84210843, s31  }
0x83: {  	(v2sf) =	vpush v6, $0x6;
	s29 =	smulhi.u32 $0x84210843, s22;
	s31 =	sshra.s32 s22, $0x1F;
	s18 =	sadd.s32 s26, s1  }
0x84: {  	s5 =	ssub.s32 s30, s20;
	s24 =	spop (v2sf);
	s26 =	smul.u32 $0x84210843, s31  }
0x85: {  	s6 =	smulhi.u32 $0x84210843, s23;
	s30 =	sshra.s32 s23, $0x1F;
	s20 =	spop (v2sf);
	(v2sf) =	vpush v6, $0x7  }
0x86: {  	s0 =	sadd.s32 s13, s5;
	s13 =	ssub.s32 s28, s21;
	s7 =	smul.u32 $0x84210843, s30  }
0x87: {  	s31 =	smulhi.u32 $0x84210843, s24;
	s28 =	sshra.s32 s24, $0x1F;
	s29 =	ssub.s32 s29, s22  }
0x88: {  	s1 =	sadd.s32 s14, s13;
	s30 =	smul.u32 $0x84210843, s28;
	s5 =	sadd.s32 s26, s29  }
0x89: {  	s26 =	smulhi.u32 $0x84210843, s20;
	s28 =	sshra.s32 s20, $0x1F;
	s6 =	ssub.s32 s6, s23  }
0x8a: {  	s21 =	smul.u32 $0x84210843, s28;
	s15 =	ssub.s32 s31, s24;
	s25 =	spop (v2sf)  }
0x8b: {  	s6 =	sadd.s32 s7, s6;
	s29 =	smulhi.u32 $0x84210843, s25;
	s31 =	sshra.s32 s25, $0x1F  }
0x8c: {  	s7 =	sadd.s32 s30, s15;
	s22 =	spop (v2sf);
	s15 =	smul.u32 $0x84210843, s31  }
0x8d: {  	s13 =	ssub.s32 s26, s20;
	s30 =	smulhi.u32 $0x84210843, s22;
	s31 =	sshra.s32 s22, $0x1F  }
0x8e: {  	s13 =	sadd.s32 s21, s13;
	s24 =	spop (v2sf);
	s20 =	smul.u32 $0x84210843, s31  }
0x8f: {  	s26 =	ssub.s32 s29, s25;
	s28 =	smulhi.u32 $0x84210843, s24;
	s29 =	sshra.s32 s24, $0x1F  }
0x90: {  	s21 =	spop (v2sf);
	s14 =	sadd.s32 s15, s26;
	s25 =	smul.u32 $0x84210843, s29  }
0x91: {  	v7 =	vmov s13;
	s30 =	ssub.s32 s30, s22;
	s15 =	smulhi.u32 $0x84210843, s21;
	s31 =	sshra.s32 s21, $0x1F  }
0x92: {  	v7 =	vnsel vm3, $0x0, v7;
	s13 =	sadd.s32 s20, s30;
	s20 =	spop (v2sf);
	s22 =	smul.u32 $0x84210843, s31  }
0x93: {  	v7 =	vsel vm0, s7, v7;
	s24 =	ssub.s32 s28, s24;
	s26 =	smulhi.u32 $0x84210843, s20;
	s28 =	sshra.s32 s20, $0x1F  }
0x94: {  	v53 =	vmov s19;
	v54 =	vmov s1;
	v7 =	vsel vm1, s14, v7;
	s29 =	sadd.s32 s25, s24;
	s30 =	smul.u32 $0x84210843, s28;
	s31 =	spop (v2sf)  }
0x95: {  	v8 =	vsel vm0, s16, v53;
	v9 =	vsel vm0, s0, v54;
	v7 =	vsel vm2, s13, v7;
	s16 =	ssub.s32 s15, s21;
	s19 =	smulhi.u32 $0x84210843, s31;
	s21 =	sshra.s32 s31, $0x1F  }
0x96: {  	v8 =	vsel vm1, s17, v8;
	v9 =	vsel vm1, s5, v9;
	v7 =	vsel vm4, s29, v7;
	s0 =	sadd.s32 s22, s16;
	s22 =	ssub.s32 s26, s20;
	s23 =	smul.u32 $0x84210843, s21  }
0x97: {  	v8 =	vsel vm2, s18, v8;
	v9 =	vsel vm2, s6, v9;
	v7 =	vsel vm5, s0, v7;
	s24 =	sadd.s32 s30, s22;
	s25 =	ssub.s32 s19, s31  }
0x98: {  	v8 =	vcombine.low v9, v8;
	v7 =	vsel vm6, s24, v7;
	s26 =	sadd.s32 s23, s25  }
0x99: {  	v7 =	vsel vm7, s26, v7  }
0x9a: {  	v8 =	vperm.xlane v8, v3;
	v7 =	vperm.xlane v7, v4;
	_ =	sdelay $0x1  }
0x9b: {  	s28 =	rddreg [dreg:$0x9];
	v7 =	vsel vm8, v7, v8  }
0x9c: {  	v55 =	vor.u32 s28, v1;
	v57 =	vmov s28;
	v7 =	vadd.s32 v6, v7  }
0x9d: {  	v58 =	vand.u32 $0x7F, v55;
	v56 =	vshrl.u32 v7, $0x1F;
	v7 =	vshra.s32 v7, $0x8  }
0x9e: {  	vm9 =	veq.s32 v57, v1;
	vm10 =	vne.s32 v58, $0x0;
	v7 =	vadd.s32 v56, v7  }
0x9f: {  	vm9 =	vmand vm9, vm10;
	v9 =	vmul.u32 $0xFFFFFE10, v7  }
0xa0: {  	v59 =	vsub.s32 $0x0, v6;
	v60 =	vsel vm9, $0xFFFFFFFF, v2  }
0xa1: {  	vm10 =	vne.s32 v9, v59;
	v9 =	vshll.u32 v60, $0x7  }
0xa2: {  	vm9 =	vlt.s32 v6, $0x1;
	v9 =	vadd.s32 s28, v9  }
0xa3: {  	vm9 =	vmand vm9, vm10;
	v9 =	vand.u32 $0xFFFFFF80, v9  }
0xa4: {  	v61 =	vsel vm9, $0xFFFFFFFF, v2;
	v9 =	vor.u32 v58, v9  }
0xa5: {  	v7 =	vadd.s32 v61, v7  }
0xa6: {  	v10 =	vmul.u32 $0xFFFFFE10, v7  }
0xa7: {  	v5 =	vmul.u32 $0x1B0, v5  }
0xa8: {  	s29 =	rddreg [dreg:$0x2];
	v8 =	vadd.s32 v0, v55;
	v6 =	vadd.s32 v6, v10  }
0xa9: {  	v5 =	vadd.s32 v5, v7;
	v10 =	vand.u32 $0xFF, v6;
	v62 =	vshra.s32 v6, $0x1F;
	v63 =	vld.idx.msk [tilespmem:v9+s29+$0x0], $0xffff  }
0xaa: {  	vm10 =	vlt.s32 v6, $0x1;
	vm9 =	vne.s32 v10, $0x0;
	v11 =	vshrl.u32 v62, $0x18  }
0xab: {  	v5 =	vshll.u32 v5, $0x9;
	vm9 =	vmand vm10, vm9;
	v11 =	vadd.s32 v11, v6  }
0xac: {  	p0 =	sne.s32 s28, $0x9F0;
	v6 =	vshll.u32 v6, $0x1;
	v11 =	vshra.s32 v11, $0x8;
	v7 =	vsel vm9, $0xFFFFFFFF, v2  }
.Ltmp2:
0xad: {  	vm9 =	vlt.u32 v55, $0x9C4;
	v5 =	vadd.s32 v5, v6;
	v7 =	vadd.s32 v7, v11;
	(pc) =	sbr.rel @p0 .LBB2_6-.Ltmp2, $4  }
0xae: {  	v5 =	vadd.s32 v7, v5;
	v6 =	vshll.u32 v7, $0x9;
	vm10 =	veq.s32 v63, v8  }
0xaf: {  	s30 =	rddreg [dreg:$0x3];
	v5 =	vsub.s32 v5, v6;
	vm9 =	vmand vm9, vm10  }
0xb0: {  	s31 =	rddreg [dreg:$0x8];
	v5 =	vnsel vm9, $0xD8000, v5  }
0xb1: {  	s1 =	sadd.s32 $0x10, s28;
	s0 =	sadd.s32 $0x10, s31;
	[tilespmem:v9+s30+$0x0] =	vst.idx.msk $0xffff, v5  }
0xb2: {  	s15 =	rddreg [dreg:$0x6]  }
0xb3: {  	[tilespmem:s12], [sflag:$0x2] =	stream.linear.gather [hbm4b:s15+s2], $0x2000, $0x38;
	[tilespmem:$0x4800] =	vst v63  }
0xb4: {  	_ =	swait.ge [sflag:s8], $0x2000  }
0xb5: {  	[sflag:s8] =	ssyncset.done $0x0  }
0xb6: {  	s0 =	simm.s32 $0x1E00;
	[sflag:s8] =	ssyncadd.s32 $0xFFFFE000  }
0xb7: {  	[hbm4b:s4+s10] =	stream.indirect.scatter [tilespmem:s12], [sflag:$0x1], $0x40, s0, s10, $0xb8;
	[tilespmem:$0x4800] =	vst v63  }
0xb8: {  	_ =	swait.ge [sflag:s11], $0x2000  }
0xb9: {  	s14 =	simm.s32 $0x200;
	[sflag:s11] =	ssyncset.done $0x0  }
.LBB2_8:
0xba: {  	p0 =	sne.s32 s14, $0x2600;
	[sflag:s11] =	ssyncadd.s32 $0xFFFFE000;
	s15 =	sadd.s32 $0x400, s15  }
0xbb: {  	[tilespmem:s12], [sflag:$0x2] =	stream.linear.gather [hbm4b:s15+s2], $0x2000, $0x38;
	[tilespmem:$0x4800] =	vst v63  }
0xbc: {  	s0 =	smov.u32 s14;
	s14 =	sadd.s32 $0x200, s14;
	_ =	swait.ge [sflag:s8], $0x2000  }
.Ltmp3:
0xbd: {  	s0 =	sshra.s32 s0, $0x2;
	[sflag:s8] =	ssyncset.done $0x0;
	(pc) =	sbr.rel @p0 .LBB2_8-.Ltmp3, $4  }
0xbe: {  	s0 =	sadd.s32 $0x1E00, s0;
	[sflag:s8] =	ssyncadd.s32 $0xFFFFE000  }
0xbf: {  	[hbm4b:s4+s10] =	stream.indirect.scatter [tilespmem:s12], [sflag:$0x1], $0x40, s0, s10, $0xb8;
	[tilespmem:$0x4800] =	vst v63  }
0xc0: {  	_ =	swait.ge [sflag:s11], $0x2000  }
0xc1: {  	[sflag:s11] =	ssyncset.done $0x0  }
0xc2: {  	s1 =	rddreg [dreg:$0x7]  }
0xc3: {  	s0 =	rddreg [dreg:$0x5];
	s1 =	sadd.s32 $0x1, s1  }
0xc4: {  	p0 =	sne.s32 s1, s0  }
.Ltmp4:
0xc5: {  	_ = 	snop;
	(pc) =	sbr.rel @p0 .LBB2_1-.Ltmp4, $2  }
0xc6: {  	_ =	sdelay $0x2  }
0xc7: {  	[sflag:s11] =	ssyncadd.s32 $0xFFFFE000  }
0xc8: {  	_ =	sfence.sel $0x180000  }
0xc9: {  	[bflag:$0x0] =	sbarrier.arrive $0xFFFF  }
0xca: {  	_ =	strace $0x9000004D  }
0xcb: {  	s0 =	stileid.u32;
	[bflag:$0x2] =	sbarrier.arrive $0xFFFF  }
0xcc: {  	p0 =	sne.s32 s0, $0x0;
	s0 =	rddreg [dreg:$0x1]  }
0xcd: {  	s0 =	sadd.s32 @!p0 $0x100000, s0  }
0xce: {  	[sflag:s0] =	ssyncadd.tile.s32 @!p0 $0x1;
	_ =	shalt  }
.Lfunc_end2:
_tile_overlayer_lowered:
.L_overlay_start_2:
0xcf: {  	(tag) =	ssettag $0x2  }
0xd0: {  	s0 =	rddreg [dreg:$0x0];
	s2 =	stileid.u32  }
0xd1: {  	s1 =	rddreg [dreg:$0x1];
	p0 =	sne.s32 s2, $0x0  }
0xd2: {  	s3 =	rddreg [dreg:$0x2];
	[bflag:$0x3] =	sbarrier.arrive $0xFFFF;
	s2 =	simm.s32 @!p0 $0x1C02  }
0xd3: {  	[timem:s3], [sflag:s2] =	dma.local @!p0 [hbm:s0], s1  }
0xd4: {  	s0 =	simm.s32 @!p0 $0x2  }
0xd5: {  	_ =	swait.ge @!p0 [sflag:s0], s1  }
0xd6: {  	s1 =	ssub.s32 @!p0 $0x0, s1;
	[sflag:s0] =	ssyncset.done @!p0 $0x0  }
0xd7: {  	[sflag:s0] =	ssyncadd.s32 @!p0 s1  }
0xd8: {  	[bflag:$0x3] =	sbarrier.arrive $0xFFFF  }
0xd9: {  	_ =	shalt  }

// kernel: kernel.6.cloned.1.call-start
scs
__scs_entry_jumppad:
0x0: {  	(pc) =	sbr.rel $0x88, $3  }
0x1: {  	(tag) =	ssettag $0x0;
	lr =	simm.s32 $0x1  }
0x2: {  	[smem:$0x3F9F] =	sst lr;
	_ =	strace $0xD0000000  }
0x3: {  	_ = 	snop  }
0x4: {  	_ = 	snop  }
0x5: {  	_ = 	snop  }
0x6: {  	_ = 	snop  }
0x7: {  	_ = 	snop  }
__scs_overlays_trampoline_lowered:
0x8: {  	[smem:$0x3FAE] =	sst s0  }
0x9: {  	[smem:$0x3FAF] =	sst s1  }
0xa: {  	[smem:$0x3FB0] =	sst s2  }
0xb: {  	[smem:$0x3FB1] =	sst s3  }
0xc: {  	[smem:$0x3FB2] =	sst s4  }
0xd: {  	[smem:$0x3FB3] =	sst s5  }
0xe: {  	[smem:$0x3FB4] =	sst s6  }
0xf: {  	[smem:$0x3FB5] =	sst s7  }
0x10: {  	[smem:$0x3FB6] =	sst s8  }
0x11: {  	[smem:$0x3FB7] =	sst s9;
	s0 =	simm.s32 @!p0 $0x0  }
0x12: {  	s1 =	sld [smem:$0x3F9D];
	s0 =	simm.s32 @p0 $0x1  }
0x13: {  	[smem:$0x3FB8] =	sst s0;
	s0 =	simm.s32 @!p1 $0x0  }
0x14: {  	s2 =	sld [smem:$0x3F9C];
	s0 =	simm.s32 @p1 $0x1  }
0x15: {  	[smem:$0x3FB9] =	sst s0;
	s0 =	simm.s32 @!p2 $0x0  }
0x16: {  	s3 =	sld [smem:$0x3FDB];
	s0 =	simm.s32 @p2 $0x1  }
0x17: {  	s4 =	simm.s32 $0x1BF5;
	[smem:$0x3FBB] =	sst s0  }
0x18: {  	s0 =	sld [smem:$0x3F9E];
	_ =	swait.ge [sflag:s4], $0x0  }
0x19: {  	s7 =	sld [smem:$0x3F9F]  }
0x1a: {  	s8 =	sadd.s32 $0xFFFFE003, lr  }
0x1b: {  	s9 =	sadd.s32 $0xFFFFFEF7, lr;
	s5 =	simm.s32 $0xFFFFFFFF;
	p2 =	slt.u32 s8, $0xFFFFF086  }
0x1c: {  	p1 =	slt.u32 s9, $0xF7A;
	s5 =	simm.s32 @!p2 $0x0  }
0x1d: {  	s5 =	simm.s32 @p1 $0x1;
	p0 =	seq.s32 s7, s2  }
0x1e: {  	s7 =	smul.u32 @!p0 $0xF7A, s2;
	p2 =	seq.s32 @!p0 s5, $0x0  }
0x1f: {  	s9 =	smul.u32 $0xF7A, s1;
	s8 =	simm.s32 @!p0 $0x1BF5;
	p2 =	por !p2, p0  }
0x20: {  	[sflag:s8] =	ssyncset.s32 @!p0 $0xFFFFF086;
	s6 =	sadd.s32 @!p0 s3, s7;
	s7 =	simm.s32 @!p0 $0x108  }
0x21: {  	s3 =	sadd.s32 s3, s9;
	s6 =	sadd.s32 @!p0 $0x88, s6;
	s7 =	simm.s32 @p2 $0x1082  }
0x22: {  	[simem:s7], [sflag:s8] =	dma.local @!p0 [hbm:s6], $0xF7A  }
0x23: {  	s9 =	sor.u32 $0xD0000000, s2;
	s6 =	simm.s32 $0x108;
	_ =	swait.ge @!p0 [sflag:s8], $0x0  }
0x24: {  	s3 =	sadd.s32 $0x88, s3;
	s6 =	simm.s32 @!p1 $0x1082;
	[sflag:s4] =	ssyncset.s32 $0xFFFFF086  }
0x25: {  	[simem:s6], [sflag:s4] =	dma.local [hbm:s3], $0xF7A  }
0x26: {  	[smem:$0x3F9F] =	sst s1;
	(tag) =	ssettag s2;
	_ =	strace s9  }
0x27: {  	s1 =	sld [smem:$0x3FAF]  }
0x28: {  	s2 =	sld [smem:$0x3FB0]  }
0x29: {  	s4 =	sld [smem:$0x3FB2]  }
0x2a: {  	p0 =	seq.s32 s5, $0x0;
	s5 =	sld [smem:$0x3FB3]  }
0x2b: {  	s6 =	sld [smem:$0x3FB4]  }
0x2c: {  	s7 =	sld [smem:$0x3FB5]  }
0x2d: {  	s3 =	simm.s32 $0x108;
	s8 =	sld [smem:$0x3FB6]  }
0x2e: {  	s3 =	simm.s32 @!p0 $0x1082;
	s9 =	sld [smem:$0x3FB7]  }
0x2f: {  	lr =	sadd.s32 s0, s3;
	s0 =	sld [smem:$0x3FAE]  }
0x30: {  	s3 =	sld [smem:$0x3FB1]  }
0x31: {  	[smem:$0x3FBA] =	sst s10  }
0x32: {  	s10 =	sld [smem:$0x3FB8];
	_ =	sdelay $0x3  }
0x33: {  	p0 =	seq.s32 s10, $0x1;
	s10 =	sld [smem:$0x3FBA];
	_ =	sdelay $0x3  }
0x34: {  	[smem:$0x3FBA] =	sst s10  }
0x35: {  	s10 =	sld [smem:$0x3FB9];
	_ =	sdelay $0x3  }
0x36: {  	p1 =	seq.s32 s10, $0x1;
	s10 =	sld [smem:$0x3FBA];
	_ =	sdelay $0x3  }
0x37: {  	[smem:$0x3FBA] =	sst s10  }
0x38: {  	s10 =	sld [smem:$0x3FBB]  }
0x39: {  	_ = 	snop;
	(pc) =	sbr.ind lr, $3  }
0x3a: {  	_ = 	snop  }
0x3b: {  	_ = 	snop  }
0x3c: {  	p2 =	seq.s32 s10, $0x1;
	s10 =	sld [smem:$0x3FBA]  }
0x3d: {  	_ =	shalt  }
0x3e: {  	_ =	shalt  }
0x3f: {  	_ =	shalt  }
0x40: {  	_ =	shalt  }
0x41: {  	_ =	shalt  }
0x42: {  	_ =	shalt  }
0x43: {  	_ =	shalt  }
0x44: {  	_ =	shalt  }
0x45: {  	_ =	shalt  }
0x46: {  	_ =	shalt  }
0x47: {  	_ =	shalt  }
0x48: {  	_ =	shalt  }
0x49: {  	_ =	shalt  }
0x4a: {  	_ =	shalt  }
0x4b: {  	_ =	shalt  }
0x4c: {  	_ =	shalt  }
0x4d: {  	_ =	shalt  }
0x4e: {  	_ =	shalt  }
0x4f: {  	_ =	shalt  }
0x50: {  	_ =	shalt  }
0x51: {  	_ =	shalt  }
0x52: {  	_ =	shalt  }
0x53: {  	_ =	shalt  }
0x54: {  	_ =	shalt  }
0x55: {  	_ =	shalt  }
0x56: {  	_ =	shalt  }
0x57: {  	_ =	shalt  }
0x58: {  	_ =	shalt  }
0x59: {  	_ =	shalt  }
0x5a: {  	_ =	shalt  }
0x5b: {  	_ =	shalt  }
0x5c: {  	_ =	shalt  }
0x5d: {  	_ =	shalt  }
0x5e: {  	_ =	shalt  }
0x5f: {  	_ =	shalt  }
0x60: {  	_ =	shalt  }
0x61: {  	_ =	shalt  }
0x62: {  	_ =	shalt  }
0x63: {  	_ =	shalt  }
0x64: {  	_ =	shalt  }
0x65: {  	_ =	shalt  }
0x66: {  	_ =	shalt  }
0x67: {  	_ =	shalt  }
0x68: {  	_ =	shalt  }
0x69: {  	_ =	shalt  }
0x6a: {  	_ =	shalt  }
0x6b: {  	_ =	shalt  }
0x6c: {  	_ =	shalt  }
0x6d: {  	_ =	shalt  }
0x6e: {  	_ =	shalt  }
0x6f: {  	_ =	shalt  }
0x70: {  	_ =	shalt  }
0x71: {  	_ =	shalt  }
0x72: {  	_ =	shalt  }
0x73: {  	_ =	shalt  }
0x74: {  	_ =	shalt  }
0x75: {  	_ =	shalt  }
0x76: {  	_ =	shalt  }
0x77: {  	_ =	shalt  }
0x78: {  	_ =	shalt  }
0x79: {  	_ =	shalt  }
0x7a: {  	_ =	shalt  }
0x7b: {  	_ =	shalt  }
0x7c: {  	_ =	shalt  }
0x7d: {  	_ =	shalt  }
0x7e: {  	_ =	shalt  }
0x7f: {  	_ =	shalt  }
0x80: {  	_ =	shalt  }
0x81: {  	_ =	shalt  }
0x82: {  	_ =	shalt  }
0x83: {  	_ =	shalt  }
0x84: {  	_ =	shalt  }
0x85: {  	_ =	shalt  }
0x86: {  	_ =	shalt  }
0x87: {  	_ =	shalt  }
.Lfunc_end0:
.L_simem_size_0:
called_computation_lowered:
.L_overlay_start_0:
0x88: {  	s2 =	sld [smem:$0x3FD9]  }
0x89: {  	s3 =	sld [smem:$0x3FFE];
	_ =	sdelay $0x1  }
0x8a: {  	s1 =	srdreg.scid  }
0x8b: {  	s0 =	sand.u32 $0x1, s1  }
0x8c: {  	s17 =	sshll.u32 s0, $0xA;
	s2 =	sadd.s32 s3, s2  }
0x8d: {  	s2 =	sadd.s32 s2, s17  }
0x8e: {  	[smem:$0x3FC6] =	sst s2  }
0x8f: {  	_ = 	snop  }
0x90: {  	s2 =	sld [smem:$0x3FD0];
	(tm) =	ssettm $0x1  }
0x91: {  	s18 =	sld [smem:$0x3FFB];
	_ =	sdelay $0x3  }
0x92: {  	_ =	strace s18  }
0x93: {  	s3 =	sld [smem:$0x3FFC];
	_ =	sdelay $0x3  }
0x94: {  	_ =	strace s3  }
0x95: {  	s3 =	sld [smem:$0x3FFD];
	_ =	sdelay $0x3  }
0x96: {  	_ =	strace s3  }
0x97: {  	_ =	strace $0x8FFFFFFF  }
0x98: {  	s19 =	sld [smem:$0x3FDB];
	_ =	sdelay $0x1  }
0x99: {  	s4 =	simm.s32 $_scs_section_size  }
0x9a: {  	s5 =	simm.s32 $_size__tile_overlayer_lowered;
	s6 =	simm.s32 $_tile_overlayer_lowered  }
0x9b: {  	s22 =	simm.s32 $0x1BFF;
	s21 =	sshll.u32 s6, $0x1;
	s3 =	sadd.s32 s4, s19  }
0x9c: {  	s7 =	simm.s32 $0x0;
	s20 =	sshll.u32 s5, $0x1;
	s5 =	sadd.s32 s21, s3  }
0x9d: {  	[timem:s7], [sflag:s22] =	dma.local [hbm:s5], s20  }
0x9e: {  	_ =	swait.ge [sflag:s22], s20  }
0x9f: {  	s4 =	ssub.s32 $0x0, s20;
	[sflag:s22] =	ssyncset.done $0x0  }
0xa0: {  	[sflag:s22] =	ssyncadd.s32 s4;
	_ =	sdelay $0x1  }
0xa1: {  	s23 =	simm.s32 $0x1B8B  }
0xa2: {  	_ =	swait.ge [sflag:s23], $0x1  }
0xa3: {  	[sflag:s23] =	ssyncset.done $0x0  }
0xa4: {  	s25 =	simm.s32 $0x1B8E;
	s24 =	sld [smem:$0x3FFE];
	[sflag:s23] =	ssyncadd.s32 $0xFFFFFFFF  }
0xa5: {  	s26 =	simm.s32 $execute0_lowered;
	[smem:$0x3FD2] =	sst s25  }
0xa6: {  	s5 =	sshll.u32 s26, $0x1;
	_ =	strace $0x80000046;
	[dreg:$0x1] =	wrdreg $0xFFFFFFFF  }
0xa7: {  	s28 =	simm.s32 $_size_execute0_lowered;
	s3 =	sadd.s32 s3, s5;
	[dreg:$0x0] =	wrdreg $0x0  }
0xa8: {  	s5 =	sshll.u32 s28, $0x1;
	[dreg:$0x2] =	wrdreg s3  }
0xa9: {  	[dreg:$0x3] =	wrdreg s5  }
0xaa: {  	[dreg:$0x4] =	wrdreg $0xC0  }
0xab: {  	_ =	task [dreg:s7], $0x5FFFF  }
0xac: {  	[dreg:$0x1] =	wrdreg $0xFFFFFFFF  }
0xad: {  	[dreg:$0x0] =	wrdreg $0x60  }
0xae: {  	[dreg:$0x2] =	wrdreg s2  }
0xaf: {  	[dreg:$0x3] =	wrdreg s24  }
0xb0: {  	[dreg:$0x4] =	wrdreg $0x9  }
0xb1: {  	_ =	task.clear_ibuf [dreg:s7], $0x5FFFF;
	_ =	strace $0x90000046  }
0xb2: {  	s29 =	simm.s32 $0x9;
	_ =	strace $0x80000048  }
0xb3: {  	_ =	swait.ge [sflag:s29], $0x1  }
0xb4: {  	[sflag:s29] =	ssyncadd.s32 $0xFFFFFFFF  }
0xb5: {  	_ =	strace $0x90000048  }
0xb6: {  	_ =	sfence  }
0xb7: {  	s30 =	sld [smem:$0x0];
	_ =	sdelay $0x2  }
0xb8: {  	s31 =	sshll.u32 s1, $0xD;
	s1 =	sshrl.u32 s1, $0x2  }
0xb9: {  	s3 =	sand.u32 $0x4000, s31;
	s1 =	sadd.s32 s1, s30  }
0xba: {  	s0 =	sor.u32 s3, s0;
	s1 =	sshll.u32 s1, $0x11  }
0xbb: {  	s0 =	sor.u32 s1, s0  }
0xbc: {  	s0 =	sadd.s32 $0x8F2B, s0  }
0xbd: {  	[sflag:s0] =	ssyncadd.remote.s32 $0x1  }
0xbe: {  	_ =	sfence.sel $0xFFFF  }
0xbf: {  	[dreg:$0x0] =	wrdreg $0xFFFFFFFF;
	(pc) =	sbr.abs _section_cstart, $3  }
0xc0: {  	[dreg:$0x1] =	wrdreg $0xFFFFFFFF  }
0xc1: {  	_ =	task.clear_ibuf [dreg:s7], $0x2FFFF;
	_ =	strace $0x9FFFFFFF  }
0xc2: {  	(tm) =	ssettm $0x7FFFFFFF  }
0xc3: {  	_ =	shalt  }
tec
execute0_lowered:
.L_overlay_start_1:
0x0: {  	(tag) =	ssettag $0x1  }
0x1: {  	s3 =	rddreg [dreg:$0x0]  }
0x2: {  	s1 =	srdreg.scid;
	s0 =	stileid.u32  }
0x3: {  	s4 =	rddreg [dreg:$0x1];
	s5 =	sand.u32 $0x1, s1;
	s2 =	sshll.u32 s0, $0x1  }
0x4: {  	s1 =	rddreg [dreg:$0x2];
	s6 =	sor.u32 s5, s2  }
0x5: {  	s2 =	simm.s32 $0x0;
	s5 =	ssub.s32 $0x2, s5;
	s7 =	smul.u32 $0x13A, s6  }
0x6: {  	[smem:$0x7FF] =	sst s2;
	s8 =	sshrl.u32 s5, $0x1;
	s6 =	smul.u32 $0x9C4, s6  }
0x7: {  	_ =	strace $0x80000047;
	s5 =	ssub.s32 s5, s8;
	s8 =	simm.s32 $0x0  }
0x8: {  	s4 =	sadd.s32 s7, s4;
	s3 =	sadd.s32 s3, s6;
	s5 =	smax.u32 s5, $0x1  }
0x9: {  	v0 =	vlaneseq.u32;
	s6 =	simm.s32 $0x1;
	s7 =	simm.s32 $0x4E20;
	s4 =	sadd.s32 $0xE00, s4  }
.LBB2_1:
0xa: {  	v2 =	vor.u32 s2, v0  }
0xb: {  	vm0 =	vlt.s32 v2, $0x9C3  }
0xc: {  	v1 =	vnsel vm0, $0x9C3, v2  }
0xd: {  	v1 =	vshll.u32 v1, $0x3  }
0xe: {  	[tilespmem:s2], [sflag:$0x1] =	stream.linear.gather [hbm4b:s3+s2], $0x4E20, $0x38;
	v3 =	vor.u32 $0x3, v1;
	[tilespmem:$0x57F0] =	vst v63  }
0xf: {  	_ =	swait.ge [sflag:s6], $0x4E20;
	v4 =	vor.u32 $0x2, v1  }
0x10: {  	[sflag:s6] =	ssyncset.done $0x0  }
0x11: {  	[sflag:s6] =	ssyncadd.s32 $0xFFFFB1E0  }
0x12: {  	v5 =	vld.idx.msk [tilespmem:v1+s2+$0x0], $0xffff  }
0x13: {  	v3 =	vld.idx.msk [tilespmem:v3+s2+$0x0], $0xffff  }
0x14: {  	s9 =	simm.s32 $0x10;
	v4 =	vld.idx.msk [tilespmem:v4+s2+$0x0], $0xffff  }
0x15: {  	v1 =	vor.u32 s9, v0  }
0x16: {  	vm14 =	vlt.s32 v1, $0x9C3  }
0x17: {  	v6 =	vnsel vm14, $0x9C3, v1;
	v5 =	vmul.u32 $0x34500, v5  }
0x18: {  	v6 =	vshll.u32 v6, $0x3;
	v3 =	vmul.u32 $0x1F0, v3  }
0x19: {  	v7 =	vor.u32 $0x3, v6;
	v4 =	vadd.s32 v5, v4  }
0x1a: {  	vm15 =	vlt.u32 v2, $0x9C4;
	v8 =	vor.u32 $0x2, v6;
	v2 =	vadd.s32 v3, v4  }
0x1b: {  	v2 =	vnsel vm15, $0xFFFFFFFF, v2  }
0x1c: {  	[tilespmem:s7+$0x0] =	vst v2  }
0x1d: {  	v5 =	vld.idx.msk [tilespmem:v6+s2+$0x0], $0xffff  }
0x1e: {  	v4 =	vld.idx.msk [tilespmem:v7+s2+$0x0], $0xffff  }
0x1f: {  	s31 =	simm.s32 $0x20;
	v3 =	vld.idx.msk [tilespmem:v8+s2+$0x0], $0xffff  }
0x20: {  	s10 =	simm.s32 $0x30;
	s9 =	simm.s32 $0x4E20;
	v2 =	vor.u32 s31, v0  }
.LBB2_2:
0x21: {  	p0 =	sne.s32 s10, $0x9C0;
	vm0 =	vlt.s32 v2, $0x9C3  }
0x22: {  	v5 =	vmul.u32 $0x34500, v5;
	v6 =	vnsel vm0, $0x9C3, v2  }
0x23: {  	v4 =	vmul.u32 $0x1F0, v4;
	v6 =	vshll.u32 v6, $0x3  }
0x24: {  	v3 =	vadd.s32 v5, v3;
	v7 =	vor.u32 $0x3, v6  }
0x25: {  	vm0 =	vlt.u32 v1, $0x9C4;
	v1 =	vmovc v2;
	v8 =	vor.u32 $0x2, v6;
	v3 =	vadd.s32 v4, v3  }
0x26: {  	s9 =	sadd.s32 $0x10, s9;
	v2 =	vnsel vm0, $0xFFFFFFFF, v3  }
0x27: {  	[tilespmem:s9+$0x0] =	vst v2  }
.Ltmp0:
0x28: {  	v5 =	vld.idx.msk [tilespmem:v6+s2+$0x0], $0xffff;
	(pc) =	sbr.rel @p0 .LBB2_2-.Ltmp0, $3  }
0x29: {  	v4 =	vld.idx.msk [tilespmem:v7+s2+$0x0], $0xffff  }
0x2a: {  	v3 =	vld.idx.msk [tilespmem:v8+s2+$0x0], $0xffff;
	_ =	sdelay $0x1  }
0x2b: {  	v2 =	vor.u32 s10, v0;
	s10 =	sadd.s32 $0x10, s10  }
0x2c: {  	vm0 =	vlt.s32 v2, $0x9C3  }
0x2d: {  	v5 =	vmul.u32 $0x34500, v5;
	v6 =	vnsel vm0, $0x9C3, v2  }
0x2e: {  	v4 =	vmul.u32 $0x1F0, v4;
	v6 =	vshll.u32 v6, $0x3  }
0x2f: {  	v3 =	vadd.s32 v5, v3;
	v7 =	vor.u32 $0x3, v6  }
0x30: {  	vm14 =	vlt.u32 v1, $0x9C4;
	v62 =	vor.u32 $0x2, v6;
	v1 =	vadd.s32 v4, v3  }
0x31: {  	s9 =	sadd.s32 $0x10, s9;
	v1 =	vnsel vm14, $0xFFFFFFFF, v1  }
0x32: {  	[tilespmem:s9+$0x0] =	vst v1  }
0x33: {  	v1 =	vld.idx.msk [tilespmem:v6+s2+$0x0], $0xffff  }
0x34: {  	v3 =	vld.idx.msk [tilespmem:v7+s2+$0x0], $0xffff  }
0x35: {  	v63 =	vld.idx.msk [tilespmem:v62+s2+$0x0], $0xffff;
	_ =	sdelay $0x2  }
0x36: {  	v1 =	vmul.u32 $0x34500, v1  }
0x37: {  	v3 =	vmul.u32 $0x1F0, v3  }
0x38: {  	v1 =	vadd.s32 v1, v63  }
0x39: {  	vm15 =	vlt.u32 v2, $0x9C4;
	s8 =	sadd.s32 $0x1, s8;
	v1 =	vadd.s32 v3, v1  }
0x3a: {  	p0 =	sne.s32 s8, s5;
	s9 =	sadd.s32 $0x10, s9;
	v1 =	vnsel vm15, $0xFFFFFFFF, v1  }
.Ltmp1:
0x3b: {  	[tilespmem:s9+$0x0] =	vst v1;
	(pc) =	sbr.rel @p0 .LBB2_1-.Ltmp1, $4  }
0x3c: {  	[hbm4b:s4+s2] =	stream.linear.scatter [tilespmem:s7], [sflag:$0x1], $0x9D0, $0x38;
	[tilespmem:$0x57F0] =	vst v63  }
0x3d: {  	_ =	swait.ge [sflag:s6], $0x9D0  }
0x3e: {  	[sflag:s6] =	ssyncset.done $0x0  }
0x3f: {  	[sflag:s6] =	ssyncadd.s32 $0xFFFFF630  }
0x40: {  	_ =	sfence.sel $0x180000  }
0x41: {  	[bflag:$0x0] =	sbarrier.arrive $0xFFFF  }
0x42: {  	p0 =	sne.s32 s0, $0x0;
	_ =	strace $0x90000047  }
0x43: {  	s0 =	sadd.s32 @!p0 $0x100000, s1;
	[bflag:$0x2] =	sbarrier.arrive $0xFFFF  }
0x44: {  	[sflag:s0] =	ssyncadd.tile.s32 @!p0 $0x1;
	_ =	shalt  }
.Lfunc_end2:
_tile_overlayer_lowered:
.L_overlay_start_2:
0x45: {  	(tag) =	ssettag $0x2  }
0x46: {  	s0 =	rddreg [dreg:$0x0];
	s2 =	stileid.u32  }
0x47: {  	s1 =	rddreg [dreg:$0x1];
	p0 =	sne.s32 s2, $0x0  }
0x48: {  	s3 =	rddreg [dreg:$0x2];
	[bflag:$0x3] =	sbarrier.arrive $0xFFFF;
	s2 =	simm.s32 @!p0 $0x1C01  }
0x49: {  	[timem:s3], [sflag:s2] =	dma.local @!p0 [hbm:s0], s1  }
0x4a: {  	s0 =	simm.s32 @!p0 $0x1  }
0x4b: {  	_ =	swait.ge @!p0 [sflag:s0], s1  }
0x4c: {  	s1 =	ssub.s32 @!p0 $0x0, s1;
	[sflag:s0] =	ssyncset.done @!p0 $0x0  }
0x4d: {  	[sflag:s0] =	ssyncadd.s32 @!p0 s1  }
0x4e: {  	[bflag:$0x3] =	sbarrier.arrive $0xFFFF  }
0x4f: {  	_ =	shalt  }

// kernel: kernel.9.cloned.1.call-start
scs
__scs_entry_jumppad:
0x0: {  	(pc) =	sbr.rel $0x88, $3  }
0x1: {  	(tag) =	ssettag $0x0;
	lr =	simm.s32 $0x1  }
0x2: {  	[smem:$0x3F9F] =	sst lr;
	_ =	strace $0xD0000000  }
0x3: {  	_ = 	snop  }
0x4: {  	_ = 	snop  }
0x5: {  	_ = 	snop  }
0x6: {  	_ = 	snop  }
0x7: {  	_ = 	snop  }
__scs_overlays_trampoline_lowered:
0x8: {  	[smem:$0x3FAE] =	sst s0  }
0x9: {  	[smem:$0x3FAF] =	sst s1  }
0xa: {  	[smem:$0x3FB0] =	sst s2  }
0xb: {  	[smem:$0x3FB1] =	sst s3  }
0xc: {  	[smem:$0x3FB2] =	sst s4  }
0xd: {  	[smem:$0x3FB3] =	sst s5  }
0xe: {  	[smem:$0x3FB4] =	sst s6  }
0xf: {  	[smem:$0x3FB5] =	sst s7  }
0x10: {  	[smem:$0x3FB6] =	sst s8  }
0x11: {  	[smem:$0x3FB7] =	sst s9;
	s0 =	simm.s32 @!p0 $0x0  }
0x12: {  	s1 =	sld [smem:$0x3F9D];
	s0 =	simm.s32 @p0 $0x1  }
0x13: {  	[smem:$0x3FB8] =	sst s0;
	s0 =	simm.s32 @!p1 $0x0  }
0x14: {  	s2 =	sld [smem:$0x3F9C];
	s0 =	simm.s32 @p1 $0x1  }
0x15: {  	[smem:$0x3FB9] =	sst s0;
	s0 =	simm.s32 @!p2 $0x0  }
0x16: {  	s3 =	sld [smem:$0x3FDB];
	s0 =	simm.s32 @p2 $0x1  }
0x17: {  	s4 =	simm.s32 $0x1BF5;
	[smem:$0x3FBB] =	sst s0  }
0x18: {  	s0 =	sld [smem:$0x3F9E];
	_ =	swait.ge [sflag:s4], $0x0  }
0x19: {  	s7 =	sld [smem:$0x3F9F]  }
0x1a: {  	s8 =	sadd.s32 $0xFFFFE003, lr  }
0x1b: {  	s9 =	sadd.s32 $0xFFFFFEF7, lr;
	s5 =	simm.s32 $0xFFFFFFFF;
	p2 =	slt.u32 s8, $0xFFFFF086  }
0x1c: {  	p1 =	slt.u32 s9, $0xF7A;
	s5 =	simm.s32 @!p2 $0x0  }
0x1d: {  	s5 =	simm.s32 @p1 $0x1;
	p0 =	seq.s32 s7, s2  }
0x1e: {  	s7 =	smul.u32 @!p0 $0xF7A, s2;
	p2 =	seq.s32 @!p0 s5, $0x0  }
0x1f: {  	s9 =	smul.u32 $0xF7A, s1;
	s8 =	simm.s32 @!p0 $0x1BF5;
	p2 =	por !p2, p0  }
0x20: {  	[sflag:s8] =	ssyncset.s32 @!p0 $0xFFFFF086;
	s6 =	sadd.s32 @!p0 s3, s7;
	s7 =	simm.s32 @!p0 $0x108  }
0x21: {  	s3 =	sadd.s32 s3, s9;
	s6 =	sadd.s32 @!p0 $0x88, s6;
	s7 =	simm.s32 @p2 $0x1082  }
0x22: {  	[simem:s7], [sflag:s8] =	dma.local @!p0 [hbm:s6], $0xF7A  }
0x23: {  	s9 =	sor.u32 $0xD0000000, s2;
	s6 =	simm.s32 $0x108;
	_ =	swait.ge @!p0 [sflag:s8], $0x0  }
0x24: {  	s3 =	sadd.s32 $0x88, s3;
	s6 =	simm.s32 @!p1 $0x1082;
	[sflag:s4] =	ssyncset.s32 $0xFFFFF086  }
0x25: {  	[simem:s6], [sflag:s4] =	dma.local [hbm:s3], $0xF7A  }
0x26: {  	[smem:$0x3F9F] =	sst s1;
	(tag) =	ssettag s2;
	_ =	strace s9  }
0x27: {  	s1 =	sld [smem:$0x3FAF]  }
0x28: {  	s2 =	sld [smem:$0x3FB0]  }
0x29: {  	s4 =	sld [smem:$0x3FB2]  }
0x2a: {  	p0 =	seq.s32 s5, $0x0;
	s5 =	sld [smem:$0x3FB3]  }
0x2b: {  	s6 =	sld [smem:$0x3FB4]  }
0x2c: {  	s7 =	sld [smem:$0x3FB5]  }
0x2d: {  	s3 =	simm.s32 $0x108;
	s8 =	sld [smem:$0x3FB6]  }
0x2e: {  	s3 =	simm.s32 @!p0 $0x1082;
	s9 =	sld [smem:$0x3FB7]  }
0x2f: {  	lr =	sadd.s32 s0, s3;
	s0 =	sld [smem:$0x3FAE]  }
0x30: {  	s3 =	sld [smem:$0x3FB1]  }
0x31: {  	[smem:$0x3FBA] =	sst s10  }
0x32: {  	s10 =	sld [smem:$0x3FB8];
	_ =	sdelay $0x3  }
0x33: {  	p0 =	seq.s32 s10, $0x1;
	s10 =	sld [smem:$0x3FBA];
	_ =	sdelay $0x3  }
0x34: {  	[smem:$0x3FBA] =	sst s10  }
0x35: {  	s10 =	sld [smem:$0x3FB9];
	_ =	sdelay $0x3  }
0x36: {  	p1 =	seq.s32 s10, $0x1;
	s10 =	sld [smem:$0x3FBA];
	_ =	sdelay $0x3  }
0x37: {  	[smem:$0x3FBA] =	sst s10  }
0x38: {  	s10 =	sld [smem:$0x3FBB]  }
0x39: {  	_ = 	snop;
	(pc) =	sbr.ind lr, $3  }
0x3a: {  	_ = 	snop  }
0x3b: {  	_ = 	snop  }
0x3c: {  	p2 =	seq.s32 s10, $0x1;
	s10 =	sld [smem:$0x3FBA]  }
0x3d: {  	_ =	shalt  }
0x3e: {  	_ =	shalt  }
0x3f: {  	_ =	shalt  }
0x40: {  	_ =	shalt  }
0x41: {  	_ =	shalt  }
0x42: {  	_ =	shalt  }
0x43: {  	_ =	shalt  }
0x44: {  	_ =	shalt  }
0x45: {  	_ =	shalt  }
0x46: {  	_ =	shalt  }
0x47: {  	_ =	shalt  }
0x48: {  	_ =	shalt  }
0x49: {  	_ =	shalt  }
0x4a: {  	_ =	shalt  }
0x4b: {  	_ =	shalt  }
0x4c: {  	_ =	shalt  }
0x4d: {  	_ =	shalt  }
0x4e: {  	_ =	shalt  }
0x4f: {  	_ =	shalt  }
0x50: {  	_ =	shalt  }
0x51: {  	_ =	shalt  }
0x52: {  	_ =	shalt  }
0x53: {  	_ =	shalt  }
0x54: {  	_ =	shalt  }
0x55: {  	_ =	shalt  }
0x56: {  	_ =	shalt  }
0x57: {  	_ =	shalt  }
0x58: {  	_ =	shalt  }
0x59: {  	_ =	shalt  }
0x5a: {  	_ =	shalt  }
0x5b: {  	_ =	shalt  }
0x5c: {  	_ =	shalt  }
0x5d: {  	_ =	shalt  }
0x5e: {  	_ =	shalt  }
0x5f: {  	_ =	shalt  }
0x60: {  	_ =	shalt  }
0x61: {  	_ =	shalt  }
0x62: {  	_ =	shalt  }
0x63: {  	_ =	shalt  }
0x64: {  	_ =	shalt  }
0x65: {  	_ =	shalt  }
0x66: {  	_ =	shalt  }
0x67: {  	_ =	shalt  }
0x68: {  	_ =	shalt  }
0x69: {  	_ =	shalt  }
0x6a: {  	_ =	shalt  }
0x6b: {  	_ =	shalt  }
0x6c: {  	_ =	shalt  }
0x6d: {  	_ =	shalt  }
0x6e: {  	_ =	shalt  }
0x6f: {  	_ =	shalt  }
0x70: {  	_ =	shalt  }
0x71: {  	_ =	shalt  }
0x72: {  	_ =	shalt  }
0x73: {  	_ =	shalt  }
0x74: {  	_ =	shalt  }
0x75: {  	_ =	shalt  }
0x76: {  	_ =	shalt  }
0x77: {  	_ =	shalt  }
0x78: {  	_ =	shalt  }
0x79: {  	_ =	shalt  }
0x7a: {  	_ =	shalt  }
0x7b: {  	_ =	shalt  }
0x7c: {  	_ =	shalt  }
0x7d: {  	_ =	shalt  }
0x7e: {  	_ =	shalt  }
0x7f: {  	_ =	shalt  }
0x80: {  	_ =	shalt  }
0x81: {  	_ =	shalt  }
0x82: {  	_ =	shalt  }
0x83: {  	_ =	shalt  }
0x84: {  	_ =	shalt  }
0x85: {  	_ =	shalt  }
0x86: {  	_ =	shalt  }
0x87: {  	_ =	shalt  }
.Lfunc_end0:
.L_simem_size_0:
called_computation.1_lowered:
.L_overlay_start_0:
0x88: {  	s2 =	sld [smem:$0x3FD9]  }
0x89: {  	s3 =	sld [smem:$0x3FFE];
	_ =	sdelay $0x1  }
0x8a: {  	s1 =	srdreg.scid  }
0x8b: {  	s0 =	sand.u32 $0x1, s1  }
0x8c: {  	s16 =	sshll.u32 s0, $0xA;
	s2 =	sadd.s32 s3, s2  }
0x8d: {  	s2 =	sadd.s32 s2, s16  }
0x8e: {  	[smem:$0x3FC6] =	sst s2  }
0x8f: {  	_ = 	snop  }
0x90: {  	(tm) =	ssettm $0x1  }
0x91: {  	s17 =	sld [smem:$0x3FFB];
	_ =	sdelay $0x3  }
0x92: {  	_ =	strace s17  }
0x93: {  	s2 =	sld [smem:$0x3FFC];
	_ =	sdelay $0x3  }
0x94: {  	_ =	strace s2  }
0x95: {  	s2 =	sld [smem:$0x3FFD];
	_ =	sdelay $0x3  }
0x96: {  	_ =	strace s2  }
0x97: {  	_ =	strace $0x8FFFFFFF  }
0x98: {  	s18 =	sld [smem:$0x3FDB];
	_ =	sdelay $0x1  }
0x99: {  	s19 =	simm.s32 $_scs_section_size  }
0x9a: {  	s4 =	simm.s32 $_size__tile_overlayer_lowered;
	s5 =	simm.s32 $_tile_overlayer_lowered  }
0x9b: {  	s22 =	simm.s32 $0x1BFF;
	s21 =	sshll.u32 s5, $0x1;
	s2 =	sadd.s32 s19, s18  }
0x9c: {  	s6 =	simm.s32 $0x0;
	s20 =	sshll.u32 s4, $0x1;
	s4 =	sadd.s32 s21, s2  }
0x9d: {  	[timem:s6], [sflag:s22] =	dma.local [hbm:s4], s20  }
0x9e: {  	_ =	swait.ge [sflag:s22], s20  }
0x9f: {  	s3 =	ssub.s32 $0x0, s20;
	[sflag:s22] =	ssyncset.done $0x0  }
0xa0: {  	[sflag:s22] =	ssyncadd.s32 s3;
	_ =	sdelay $0x1  }
0xa1: {  	s23 =	simm.s32 $0x1B8B  }
0xa2: {  	_ =	swait.ge [sflag:s23], $0x1  }
0xa3: {  	[sflag:s23] =	ssyncset.done $0x0  }
0xa4: {  	s25 =	simm.s32 $0x1B8E;
	s24 =	sld [smem:$0x3FFE];
	[sflag:s23] =	ssyncadd.s32 $0xFFFFFFFF  }
0xa5: {  	s26 =	simm.s32 $execute0_lowered;
	[smem:$0x3FD2] =	sst s25  }
0xa6: {  	s4 =	sshll.u32 s26, $0x1;
	_ =	strace $0x80000049;
	[dreg:$0x1] =	wrdreg $0xFFFFFFFF  }
0xa7: {  	s28 =	simm.s32 $_size_execute0_lowered;
	s2 =	sadd.s32 s2, s4;
	[dreg:$0x0] =	wrdreg $0x0  }
0xa8: {  	s4 =	sshll.u32 s28, $0x1;
	[dreg:$0x2] =	wrdreg s2  }
0xa9: {  	[dreg:$0x3] =	wrdreg s4  }
0xaa: {  	[dreg:$0x4] =	wrdreg $0xC0  }
0xab: {  	_ =	task [dreg:s6], $0x5FFFF  }
0xac: {  	[dreg:$0x1] =	wrdreg $0xFFFFFFFF  }
0xad: {  	[dreg:$0x0] =	wrdreg $0x60  }
0xae: {  	[dreg:$0x2] =	wrdreg s24  }
0xaf: {  	[dreg:$0x3] =	wrdreg $0x9  }
0xb0: {  	_ =	task.clear_ibuf [dreg:s6], $0x4FFFF;
	_ =	strace $0x90000049  }
0xb1: {  	s29 =	simm.s32 $0x9;
	_ =	strace $0x8000004B  }
0xb2: {  	_ =	swait.ge [sflag:s29], $0x1  }
0xb3: {  	[sflag:s29] =	ssyncadd.s32 $0xFFFFFFFF  }
0xb4: {  	_ =	strace $0x9000004B  }
0xb5: {  	_ =	sfence  }
0xb6: {  	s30 =	sld [smem:$0x0];
	_ =	sdelay $0x2  }
0xb7: {  	s31 =	sshll.u32 s1, $0xD;
	s1 =	sshrl.u32 s1, $0x2  }
0xb8: {  	s3 =	sand.u32 $0x4000, s31;
	s1 =	sadd.s32 s1, s30  }
0xb9: {  	s0 =	sor.u32 s3, s0;
	s1 =	sshll.u32 s1, $0x11  }
0xba: {  	s0 =	sor.u32 s1, s0  }
0xbb: {  	s0 =	sadd.s32 $0x8F2B, s0  }
0xbc: {  	[sflag:s0] =	ssyncadd.remote.s32 $0x1  }
0xbd: {  	_ =	sfence.sel $0xFFFF  }
0xbe: {  	[dreg:$0x0] =	wrdreg $0xFFFFFFFF;
	(pc) =	sbr.abs _section_cstart, $3  }
0xbf: {  	[dreg:$0x1] =	wrdreg $0xFFFFFFFF  }
0xc0: {  	_ =	task.clear_ibuf [dreg:s6], $0x2FFFF;
	_ =	strace $0x9FFFFFFF  }
0xc1: {  	(tm) =	ssettm $0x7FFFFFFF  }
tec
execute0_lowered:
.L_overlay_start_1:
0x0: {  	(tag) =	ssettag $0x1  }
0x1: {  	s1 =	srdreg.scid;
	s0 =	stileid.u32  }
0x2: {  	s3 =	sand.u32 $0x1, s1;
	s31 =	sshll.u32 s0, $0x1  }
0x3: {  	s4 =	rddreg [dreg:$0x0];
	s2 =	simm.s32 $0x0;
	s1 =	sor.u32 s3, s31  }
0x4: {  	[smem:$0x7FF] =	sst s2;
	s3 =	ssub.s32 $0x2, s3;
	s6 =	smul.u32 $0x68A0, s1  }
0x5: {  	s8 =	simm.s32 $0x0;
	s1 =	rddreg [dreg:$0x1];
	s7 =	sshrl.u32 s3, $0x1  }
0x6: {  	_ =	strace $0x8000004A;
	s7 =	ssub.s32 s3, s7;
	s5 =	sshrl.u32 s6, $0x3  }
0x7: {  	s3 =	sadd.s32 $0xE00, s4;
	v0 =	vmov s6;
	s6 =	simm.s32 $0x1;
	s5 =	sadd.s32 s5, s4  }
0x8: {  	v1 =	vimm.s32 $0xFFFFFFFF;
	v2 =	vimm.f32 $0.0e+00;
	s4 =	sadd.s32 $0x3600, s5;
	s5 =	smax.u32 s7, $0x1;
	s7 =	simm.s32 $0x13A00  }
.LBB2_1:
0x9: {  	[tilespmem:s2], [sflag:$0x1] =	stream.linear.gather [hbm4b:s3+s2], $0x13A00, $0x38;
	[tilespmem:$0x1A2A0] =	vst v63  }
0xa: {  	_ =	swait.ge [sflag:s6], $0x13A00  }
0xb: {  	[sflag:s6] =	ssyncset.done $0x0  }
0xc: {  	s9 =	simm.s32 $0x0;
	[sflag:s6] =	ssyncadd.s32 $0xFFFEC600  }
.LBB2_2:
0xd: {  	p0 =	sne.s32 s9, $0x1A240  }
.Ltmp0:
0xe: {  	_ = 	snop;
	(pc) =	sbr.rel @p0 .LBB2_2-.Ltmp0, $3  }
0xf: {  	_ =	sdelay $0x1  }
0x10: {  	s10 =	sshra.s32 s9, $0x2  }
0x11: {  	s9 =	sadd.s32 $0x40, s9;
	[tilespmem:s10+$0x13A00] =	vst v1  }
0x12: {  	s9 =	simm.s32 $0x0  }
0x13: {  	v3 =	vld [tilespmem:s9+$0x0];
	_ =	sdelay $0x4  }
0x14: {  	v3 =	vsub.s32 v3, v0  }
0x15: {  	vm0 =	vlt.u32 v3, $0x68A0  }
0x16: {  	v4 =	vsel vm0, $0x3F800000, v2  }
0x17: {  	(xrf0) =	vmax.scan.msk.f32 $0xffff, v4;
	_ =	sdelay $0x5  }
0x18: {  	v4, _, _ =	vpop (xrf0)  }
0x19: {  	(v2sf) =	vpush v4, $0xF;
	_ =	sdelay $0xe  }
0x1a: {  	s10 =	spop (v2sf)  }
0x1b: {  	p1 =	sgt.f32 s10, $0.0e+00;
	_ =	sdelay $0x1  }
0x1c: {  	vm0 =	vlt.u32 @p1 v3, $0x68A0  }
0x1d: {  	v3 =	vnsel @p1 vm0, $0x0, v3;
	_ =	sdelay $0x3  }
0x1e: {  	s11 =	simm.s32 @p1 $0x13A00  }
0x1f: {  	v4 =	vld.idx.msk @p1 [tilespmem:v3+s11+$0x0], vm0;
	_ =	sdelay $0x2  }
0x20: {  	v5 =	vlaneseq.u32 @p1  }
0x21: {  	v5 =	vor.u32 @p1 s9, v5  }
0x22: {  	vm1 =	vgt.s32 @p1 v4, v5  }
0x23: {  	s10 =	simm.s32 $0x10;
	v4 =	vsel @p1 vm1, v4, v5  }
.LBB2_4:
0x24: {  	[tilespmem:v3+s11+$0x0] =	vst.idx.msk @p1 vm0, v4;
	s9 =	sadd.s32 $0x10, s9;
	s12 =	smov.u32 s10;
	s10 =	sadd.s32 $0x10, s10  }
0x25: {  	v3 =	vld [tilespmem:s9+$0x0];
	p0 =	sne.s32 s10, $0x13A00;
	_ =	sdelay $0x4  }
0x26: {  	v3 =	vsub.s32 v3, v0  }
0x27: {  	vm0 =	vlt.u32 v3, $0x68A0  }
0x28: {  	v4 =	vsel vm0, $0x3F800000, v2  }
0x29: {  	(xrf0) =	vmax.scan.msk.f32 $0xffff, v4;
	_ =	sdelay $0x5  }
0x2a: {  	v4, _, _ =	vpop (xrf0)  }
0x2b: {  	(v2sf) =	vpush v4, $0xF;
	_ =	sdelay $0xe  }
0x2c: {  	s11 =	spop (v2sf)  }
0x2d: {  	p1 =	sgt.f32 s11, $0.0e+00;
	_ =	sdelay $0x1  }
0x2e: {  	vm0 =	vlt.u32 @p1 v3, $0x68A0;
	v4 =	vlaneseq.u32 @p1  }
0x2f: {  	v3 =	vnsel @p1 vm0, $0x0, v3;
	_ =	sdelay $0x3  }
0x30: {  	s11 =	simm.s32 @p1 $0x13A00  }
0x31: {  	v5 =	vld.idx.msk @p1 [tilespmem:v3+s11+$0x0], vm0;
	_ =	sdelay $0x2  }
.Ltmp1:
0x32: {  	(pc) =	sbr.rel @p0 .LBB2_4-.Ltmp1, $4  }
0x33: {  	_ = 	snop  }
0x34: {  	v4 =	vor.u32 @p1 s12, v4  }
0x35: {  	vm1 =	vgt.s32 @p1 v5, v4  }
0x36: {  	v4 =	vsel @p1 vm1, v5, v4  }
0x37: {  	_ =	sdelay $0x2  }
0x38: {  	s8 =	sadd.s32 $0x1, s8  }
0x39: {  	p0 =	sne.s32 s8, s5  }
.Ltmp2:
0x3a: {  	[tilespmem:v3+s11+$0x0] =	vst.idx.msk @p1 vm0, v4;
	(pc) =	sbr.rel @p0 .LBB2_1-.Ltmp2, $4  }
0x3b: {  	[hbm4b:s4+s2] =	stream.linear.scatter [tilespmem:s7], [sflag:$0x1], $0x68A0, $0x38;
	[tilespmem:$0x1A2A0] =	vst v63  }
0x3c: {  	_ =	swait.ge [sflag:s6], $0x68A0  }
0x3d: {  	[sflag:s6] =	ssyncset.done $0x0  }
0x3e: {  	[sflag:s6] =	ssyncadd.s32 $0xFFFF9760  }
0x3f: {  	_ =	sfence.sel $0x180000  }
0x40: {  	[bflag:$0x0] =	sbarrier.arrive $0xFFFF  }
0x41: {  	p0 =	sne.s32 s0, $0x0;
	_ =	strace $0x9000004A  }
0x42: {  	s0 =	sadd.s32 @!p0 $0x100000, s1;
	[bflag:$0x2] =	sbarrier.arrive $0xFFFF  }
0x43: {  	[sflag:s0] =	ssyncadd.tile.s32 @!p0 $0x1;
	_ =	shalt  }
.Lfunc_end2:
_tile_overlayer_lowered:
.L_overlay_start_2:
0x44: {  	(tag) =	ssettag $0x2  }
0x45: {  	s0 =	rddreg [dreg:$0x0];
	s2 =	stileid.u32  }
0x46: {  	s1 =	rddreg [dreg:$0x1];
	p0 =	sne.s32 s2, $0x0  }
0x47: {  	s3 =	rddreg [dreg:$0x2];
	[bflag:$0x3] =	sbarrier.arrive $0xFFFF;
	s2 =	simm.s32 @!p0 $0x1C01  }
0x48: {  	[timem:s3], [sflag:s2] =	dma.local @!p0 [hbm:s0], s1  }
0x49: {  	s0 =	simm.s32 @!p0 $0x1  }
0x4a: {  	_ =	swait.ge @!p0 [sflag:s0], s1  }
0x4b: {  	s1 =	ssub.s32 @!p0 $0x0, s1;
	[sflag:s0] =	ssyncset.done @!p0 $0x0  }
0x4c: {  	[sflag:s0] =	ssyncadd.s32 @!p0 s1  }
0x4d: {  	[bflag:$0x3] =	sbarrier.arrive $0xFFFF  }
0x4e: {  	_ =	shalt  }

</sc_bundles>
